<compile_context>
chip_gen: v7x
topology: tpu7x:2x2x1
jax: 0.10.2.dev20260603
libtpu: 0.0.44.dev20260713+nightly
codegen_flags: <defaults>
</compile_context>

<pallas_src>
import functools

import jax
import jax.numpy as jnp
from jax import lax
from jax.experimental import pallas as pl
from jax.experimental.pallas import tpu as pltpu
from jax.experimental.pallas import tpu_sc as plsc

S = 2048
D = 1024
E = 8
EP = 128
HID = 4096
CAP = 512
NSLOT = E * CAP

NC, NS = 2, 16
NW = NC * NS


def _router_body(x_ref, wg_ref, bg_ref, wn_ref, bn_ref, eps_ref,
                 slot1_ref, slot2_ref, kept1_ref, kept2_ref,
                 cg1_ref, cg2_ref, aux_ref):
    x = x_ref[...]
    logits = jnp.dot(x, wg_ref[...], preferred_element_type=jnp.float32)
    logits = logits + bg_ref[...]
    zn = jnp.dot(x, wn_ref[...], preferred_element_type=jnp.float32)
    zn = zn + bn_ref[...]
    noise = jnp.maximum(zn, 0.0) + jnp.log(1.0 + jnp.exp(-jnp.abs(zn)))
    noisy = logits + eps_ref[...] * noise

    col = lax.broadcasted_iota(jnp.int32, (S, EP), 1)
    valid = col < E
    neg = jnp.float32(-1e30)
    noisy = jnp.where(valid, noisy, neg)

    m1 = jnp.max(noisy, axis=1, keepdims=True)
    i1 = jnp.min(jnp.where(noisy == m1, col, 10**9), axis=1, keepdims=True)
    noisy2 = jnp.where(col == i1, neg, noisy)
    m2 = jnp.max(noisy2, axis=1, keepdims=True)
    i2 = jnp.min(jnp.where(noisy2 == m2, col, 10**9), axis=1, keepdims=True)

    e2 = jnp.exp(m2 - m1)
    denom = 1.0 + e2
    p1 = 1.0 / denom
    p2 = e2 / denom

    probs = jnp.where(col == i1, p1, 0.0) + jnp.where(col == i2, p2, 0.0)
    mean_e = jnp.sum(probs, axis=0, keepdims=True) * (1.0 / S)
    diff = jnp.where(col[:1, :] < E, mean_e - 1.0 / E, 0.0)
    aux_ref[...] = jnp.sum(diff * diff, keepdims=True).reshape(1, 1)

    mask = ((col == i1) | (col == i2)).astype(jnp.int32)
    c = mask
    sh = 1
    while sh < S:
        c = c + jnp.concatenate(
            [jnp.zeros((sh, EP), jnp.int32), c[:-sh, :]], axis=0)
        sh *= 2
    pos = c - mask

    pos1 = jnp.sum(jnp.where(col == i1, pos, 0), axis=1, keepdims=True)
    pos2 = jnp.sum(jnp.where(col == i2, pos, 0), axis=1, keepdims=True)
    kept1 = (pos1 < CAP).astype(jnp.int32)
    kept2 = (pos2 < CAP).astype(jnp.int32)

    slot1_ref[...] = i1 * CAP + jnp.minimum(pos1, CAP - 1)
    slot2_ref[...] = i2 * CAP + jnp.minimum(pos2, CAP - 1)
    kept1_ref[...] = kept1
    kept2_ref[...] = kept2
    lanes = jnp.zeros((S, NS), jnp.float32)
    cg1_ref[...] = lanes + p1 * kept1.astype(jnp.float32)
    cg2_ref[...] = lanes + p2 * kept2.astype(jnp.float32)


def _router(x, wg, bg, wn, bn, eps):
    out_shapes = (
        jax.ShapeDtypeStruct((S, 1), jnp.int32),
        jax.ShapeDtypeStruct((S, 1), jnp.int32),
        jax.ShapeDtypeStruct((S, 1), jnp.int32),
        jax.ShapeDtypeStruct((S, 1), jnp.int32),
        jax.ShapeDtypeStruct((S, NS), jnp.float32),
        jax.ShapeDtypeStruct((S, NS), jnp.float32),
        jax.ShapeDtypeStruct((1, 1), jnp.float32),
    )
    return pl.pallas_call(
        _router_body,
        out_shape=out_shapes,
    )(x, wg, bg, wn, bn, eps)


def _selbuild_body(s1_hbm, s2_hbm, k1_hbm, k2_hbm, sel_hbm,
                   s1v, s2v, k1v, k2v, selv):
    @pl.when((lax.axis_index("c") == 0) & (lax.axis_index("s") == 0))
    def _():
        pltpu.sync_copy(s1_hbm, s1v)
        pltpu.sync_copy(s2_hbm, s2v)
        pltpu.sync_copy(k1_hbm, k1v)
        pltpu.sync_copy(k2_hbm, k2v)

        zeros = jnp.zeros((16,), jnp.int32)

        def init(i, carry):
            selv[pl.ds(i * 16, 16)] = zeros
            return carry

        lax.fori_loop(0, NSLOT // 16, init, 0)

        def step(i, carry):
            base = i * 16
            tok = lax.iota(jnp.int32, 16) + base
            s1 = s1v[pl.ds(base, 16)]
            k1 = k1v[pl.ds(base, 16)]
            plsc.store_scatter(selv, [s1], tok, mask=k1 == 1)
            s2 = s2v[pl.ds(base, 16)]
            k2 = k2v[pl.ds(base, 16)]
            plsc.store_scatter(selv, [s2], tok, mask=k2 == 1)
            return carry

        lax.fori_loop(0, S // 16, step, 0)
        pltpu.sync_copy(selv, sel_hbm)


def _selbuild(slot1, slot2, kept1, kept2):
    mesh = plsc.VectorSubcoreMesh(core_axis_name="c", subcore_axis_name="s")
    f = functools.partial(
        pl.kernel,
        mesh=mesh,
        compiler_params=pltpu.CompilerParams(needs_layout_passes=False),
        out_type=jax.ShapeDtypeStruct((NSLOT,), jnp.int32),
        scratch_types=[
            pltpu.VMEM((S,), jnp.int32),
            pltpu.VMEM((S,), jnp.int32),
            pltpu.VMEM((S,), jnp.int32),
            pltpu.VMEM((S,), jnp.int32),
            pltpu.VMEM((NSLOT,), jnp.int32),
        ],
    )(_selbuild_body)
    return f(slot1, slot2, kept1, kept2)


def _gather_body(x_hbm, sel_hbm, xd_hbm, idxv, rowsv, sem):
    wid = lax.axis_index("s") * NC + lax.axis_index("c")
    rows_per_w = NSLOT // NW
    chunk = 64
    for c in range(rows_per_w // chunk):
        base = wid * rows_per_w + c * chunk
        pltpu.sync_copy(sel_hbm.at[pl.ds(base, chunk)], idxv)
        pltpu.async_copy(x_hbm.at[idxv], rowsv, sem).wait()
        pltpu.sync_copy(rowsv, xd_hbm.at[pl.ds(base, chunk)])


def _gather(x, sel):
    mesh = plsc.VectorSubcoreMesh(core_axis_name="c", subcore_axis_name="s")
    f = functools.partial(
        pl.kernel,
        mesh=mesh,
        compiler_params=pltpu.CompilerParams(needs_layout_passes=False),
        out_type=jax.ShapeDtypeStruct((NSLOT, D), jnp.float32),
        scratch_types=[
            pltpu.VMEM((64,), jnp.int32),
            pltpu.VMEM((64, D), jnp.float32),
            pltpu.SemaphoreType.DMA,
        ],
    )(_gather_body)
    return f(x, sel)


BH = 512


def _ffn_body(xd_ref, wp1_ref, wp2_ref, wd_ref, y_ref):
    h = pl.program_id(1)
    xd = xd_ref[...]
    w1 = wp1_ref[...].reshape(D, BH)
    w2 = wp2_ref[...].reshape(D, BH)
    wd = wd_ref[...].reshape(BH, D)
    x1 = jnp.dot(xd, w1, preferred_element_type=jnp.float32)
    x2 = jnp.dot(xd, w2, preferred_element_type=jnp.float32)
    g = x1 * (1.0 / (1.0 + jnp.exp(-x1))) * x2
    part = jnp.dot(g, wd, preferred_element_type=jnp.float32)

    @pl.when(h == 0)
    def _():
        y_ref[...] = part

    @pl.when(h > 0)
    def _():
        y_ref[...] += part


def _ffn(xd, wproj, wdown):
    nh = HID // BH
    grid = (E, nh)
    return pl.pallas_call(
        _ffn_body,
        grid=grid,
        in_specs=[
            pl.BlockSpec((CAP, D), lambda e, h: (e, 0)),
            pl.BlockSpec((1, D, BH), lambda e, h: (e, 0, h)),
            pl.BlockSpec((1, D, BH), lambda e, h: (e, 0, h + nh)),
            pl.BlockSpec((1, BH, D), lambda e, h: (e, h, 0)),
        ],
        out_specs=pl.BlockSpec((CAP, D), lambda e, h: (e, 0)),
        out_shape=jax.ShapeDtypeStruct((NSLOT, D), jnp.float32),
    )(xd, wproj, wproj, wdown)


def _combine_body(y_hbm, s1_hbm, s2_hbm, g1_hbm, g2_hbm, out_hbm,
                  i1v, i2v, g1v, g2v, ya, yb, sem):
    wid = lax.axis_index("s") * NC + lax.axis_index("c")
    tok_per_w = S // NW
    chunk = 32
    for c in range(tok_per_w // chunk):
        cb = wid * tok_per_w + c * chunk
        pltpu.sync_copy(s1_hbm.at[pl.ds(cb, chunk)], i1v)
        pltpu.sync_copy(s2_hbm.at[pl.ds(cb, chunk)], i2v)
        pltpu.sync_copy(g1_hbm.at[pl.ds(cb * NS, chunk * NS)], g1v)
        pltpu.sync_copy(g2_hbm.at[pl.ds(cb * NS, chunk * NS)], g2v)
        pltpu.async_copy(y_hbm.at[i1v], ya, sem).wait()
        pltpu.async_copy(y_hbm.at[i2v], yb, sem).wait()

        def row(r, carry):
            ga = g1v[pl.ds(pl.multiple_of(r * NS, NS), 16)]
            gb = g2v[pl.ds(pl.multiple_of(r * NS, NS), 16)]

            def col(j, carry2):
                o = pl.multiple_of(j * 64, 64)
                for u in range(4):
                    oo = o + u * 16
                    va = ya[r, pl.ds(oo, 16)]
                    vb = yb[r, pl.ds(oo, 16)]
                    ya[r, pl.ds(oo, 16)] = ga * va + gb * vb
                return carry2

            lax.fori_loop(0, D // 64, col, 0)
            return carry

        lax.fori_loop(0, chunk, row, 0)
        pltpu.sync_copy(ya, out_hbm.at[pl.ds(cb, chunk)])


def _combine(y, slot1, slot2, cg1, cg2):
    mesh = plsc.VectorSubcoreMesh(core_axis_name="c", subcore_axis_name="s")
    f = functools.partial(
        pl.kernel,
        mesh=mesh,
        compiler_params=pltpu.CompilerParams(needs_layout_passes=False),
        out_type=jax.ShapeDtypeStruct((S, D), jnp.float32),
        scratch_types=[
            pltpu.VMEM((32,), jnp.int32),
            pltpu.VMEM((32,), jnp.int32),
            pltpu.VMEM((32 * NS,), jnp.float32),
            pltpu.VMEM((32 * NS,), jnp.float32),
            pltpu.VMEM((32, D), jnp.float32),
            pltpu.VMEM((32, D), jnp.float32),
            pltpu.SemaphoreType.DMA,
        ],
    )(_combine_body)
    return f(y, slot1, slot2, cg1, cg2)


def kernel(x, Wg, bg, Wn, bn, Wproj, Wdown):
    x2 = x.reshape(S, D)
    eps = jax.random.normal(jax.random.key(42), (1, S, E),
                            dtype=jnp.float32).reshape(S, E)
    padw = ((0, 0), (0, EP - E))
    wg = jnp.pad(Wg, padw)
    wn = jnp.pad(Wn, padw)
    bgp = jnp.pad(bg, (0, EP - E)).reshape(1, EP)
    bnp = jnp.pad(bn, (0, EP - E)).reshape(1, EP)
    epsp = jnp.pad(eps, padw)

    slot1, slot2, kept1, kept2, cg1, cg2, aux = _router(
        x2, wg, bgp, wn, bnp, epsp)
    slot1 = slot1.reshape(S)
    slot2 = slot2.reshape(S)
    kept1 = kept1.reshape(S)
    kept2 = kept2.reshape(S)
    cg1 = cg1.reshape(S * NS)
    cg2 = cg2.reshape(S * NS)

    sel = _selbuild(slot1, slot2, kept1, kept2)
    xd = _gather(x2, sel)
    y = _ffn(xd, Wproj, Wdown)
    out = _combine(y, slot1, slot2, cg1, cg2)
    return out.reshape(1, S, D), aux.reshape(())

# --- scband reference (transcript-rebuilt; emitter-appended) ---
"""Pipeline reference for scband-sparse-mo-e-57140244906728 (READ-ONLY COPY).

The authoritative reference and input builder live on the scoring server;
editing this copy changes nothing except your own understanding.
"""

import jax, jax.numpy as jnp
import numpy as np

B, S, D = 1, 2048, 1024
E, TOPK = 8, 2
HID = int(4.0 * D)  # ffn_multiplier=4.0 -> hidden_dim = 4096
CAP = int(B * S * TOPK / E * 1.0)  # expert_capacity = 512


def setup_inputs(seed: int = 0) -> dict:
    key = jax.random.key(seed)
    ks = jax.random.split(key, 8)
    x = jax.random.normal(ks[0], (B, S, D), dtype=jnp.float32)
    Wg = 0.02 * jax.random.normal(ks[1], (D, E), dtype=jnp.float32)
    bg = jnp.zeros((E,), dtype=jnp.float32)
    Wn = 0.02 * jax.random.normal(ks[2], (D, E), dtype=jnp.float32)
    bn = jnp.zeros((E,), dtype=jnp.float32)
    Wproj = 0.02 * jax.random.normal(ks[3], (E, D, 2 * HID), dtype=jnp.float32)
    Wdown = 0.02 * jax.random.normal(ks[4], (E, HID, D), dtype=jnp.float32)
    return {"x": x, "Wg": Wg, "bg": bg, "Wn": Wn, "bn": bn, "Wproj": Wproj, "Wdown": Wdown}


def reference(x, Wg, bg, Wn, bn, Wproj, Wdown):
    Bs, Ss, Dm = x.shape
    # NoisyTopkRouter
    logits = x @ Wg + bg
    noise_scale = jax.nn.softplus(x @ Wn + bn)
    eps = jax.random.normal(jax.random.key(42), logits.shape, dtype=logits.dtype)
    noisy_logits = logits + eps * noise_scale
    scaled_logits = noisy_logits / 1.0  # temperature = 1.0
    top_k_logits, indices = jax.lax.top_k(scaled_logits, TOPK)
    # scatter top-k values into -inf grid (equivalent: mask-where since topk values == scaled values)
    sel_mask = (indices[..., None] == jnp.arange(E)).any(axis=-2)  # [B, S, E]
    sparse_logits = jnp.where(sel_mask, scaled_logits, -jnp.inf)
    routing_probs = jax.nn.softmax(sparse_logits, axis=-1)
    router_prob = routing_probs.mean(axis=(0, 1))
    aux_loss = jnp.sum((router_prob - 1.0 / E) ** 2)
    # SparseMoE dispatch with capacity limiting (first-come by token order)
    flat_x = x.reshape(-1, Dm)
    flat_probs = routing_probs.reshape(-1, E)
    flat_idx = indices.reshape(-1, TOPK)
    updates = jnp.zeros_like(flat_x)
    for i in range(E):
        m = (flat_idx == i).any(axis=-1)  # [N]
        sel = jnp.nonzero(m, size=CAP, fill_value=0)[0]  # first CAP selected indices (ascending)
        nsel = jnp.minimum(m.sum(), CAP)
        valid = (jnp.arange(CAP) < nsel).astype(x.dtype)[:, None]
        xe = flat_x[sel]
        # Expert: SwiGLU -> fc_down (dropout=0.0 is identity)
        xp = xe @ Wproj[i]
        x1, x2 = jnp.split(xp, 2, axis=-1)
        h = jax.nn.silu(x1) * x2
        out = h @ Wdown[i]
        gate = flat_probs[sel, i][:, None]
        updates = updates.at[sel].add(out * gate * valid)
    final_outputs = updates.reshape(Bs, Ss, Dm)
    return final_outputs, aux_loss

if __name__ == "__main__":
    import jax
    _d = setup_inputs()
    print(jax.jit(kernel)(*tuple(_d.values())))

</pallas_src>

<mosaic_0001>
#map = affine_map<(d0, d1) -> (0)>
module attributes {stable_mosaic.version = 14 : i64} {
  func.func @_selbuild_body(%arg0: i32, %arg1: i32, %arg2: memref<2048xi32, #tpu.memory_space<hbm>>, %arg3: memref<2048xi32, #tpu.memory_space<hbm>>, %arg4: memref<2048xi32, #tpu.memory_space<hbm>>, %arg5: memref<2048xi32, #tpu.memory_space<hbm>>, %arg6: memref<4096xi32, #tpu.memory_space<hbm>>, %arg7: memref<2048xi32, #tpu.memory_space<vmem>>, %arg8: memref<2048xi32, #tpu.memory_space<vmem>>, %arg9: memref<2048xi32, #tpu.memory_space<vmem>>, %arg10: memref<2048xi32, #tpu.memory_space<vmem>>, %arg11: memref<4096xi32, #tpu.memory_space<vmem>>) attributes {dimension_semantics = [#tpu.dimension_semantics<core_parallel>, #tpu.dimension_semantics<subcore_parallel>], iteration_bounds = array<i64: 2, 16>, scalar_prefetch = 0 : i64, scratch_operands = 5 : i64, tpu.core_type = #tpu.core_type<sc_vector_subcore>, window_params = [{transform_indices = #map}, {transform_indices = #map}, {transform_indices = #map}, {transform_indices = #map}, {transform_indices = #map}]} {
    %eq3A = arith.constant 0 : i32
    %eq3A_0 = arith.cmpi eq, %arg0, %eq3A : i32
    %eq3A_1 = arith.constant 0 : i32
    %eq3A_2 = arith.cmpi eq, %arg1, %eq3A_1 : i32
    %and3A = arith.andi %eq3A_0, %eq3A_2 : i1
    %convert_element_type3A = arith.extui %and3A : i1 to i32
    %cond3A = arith.constant 0 : i32
    %cond3A_3 = arith.cmpi ne, %convert_element_type3A, %cond3A : i32
    scf.if %cond3A_3 {
      "tpu.region"() ({
        %run_scoped3A = tpu.sem_alloc : memref<!tpu.dma_semaphore, #tpu.memory_space<semaphore_mem>>
        tpu.enqueue_dma source(%arg2 : memref<2048xi32, #tpu.memory_space<hbm>>) target(%arg7 : memref<2048xi32, #tpu.memory_space<vmem>>) target_semaphore(%run_scoped3A : memref<!tpu.dma_semaphore, #tpu.memory_space<semaphore_mem>>)
        tpu.wait_dma2 semaphore(%run_scoped3A : memref<!tpu.dma_semaphore, #tpu.memory_space<semaphore_mem>>) src(%arg2 : memref<2048xi32, #tpu.memory_space<hbm>>) dst(%arg7 : memref<2048xi32, #tpu.memory_space<vmem>>)
        tpu.yield
      }) : () -> ()
      "tpu.region"() ({
        %run_scoped3A = tpu.sem_alloc : memref<!tpu.dma_semaphore, #tpu.memory_space<semaphore_mem>>
        tpu.enqueue_dma source(%arg3 : memref<2048xi32, #tpu.memory_space<hbm>>) target(%arg8 : memref<2048xi32, #tpu.memory_space<vmem>>) target_semaphore(%run_scoped3A : memref<!tpu.dma_semaphore, #tpu.memory_space<semaphore_mem>>)
        tpu.wait_dma2 semaphore(%run_scoped3A : memref<!tpu.dma_semaphore, #tpu.memory_space<semaphore_mem>>) src(%arg3 : memref<2048xi32, #tpu.memory_space<hbm>>) dst(%arg8 : memref<2048xi32, #tpu.memory_space<vmem>>)
        tpu.yield
      }) : () -> ()
      "tpu.region"() ({
        %run_scoped3A = tpu.sem_alloc : memref<!tpu.dma_semaphore, #tpu.memory_space<semaphore_mem>>
        tpu.enqueue_dma source(%arg4 : memref<2048xi32, #tpu.memory_space<hbm>>) target(%arg9 : memref<2048xi32, #tpu.memory_space<vmem>>) target_semaphore(%run_scoped3A : memref<!tpu.dma_semaphore, #tpu.memory_space<semaphore_mem>>)
        tpu.wait_dma2 semaphore(%run_scoped3A : memref<!tpu.dma_semaphore, #tpu.memory_space<semaphore_mem>>) src(%arg4 : memref<2048xi32, #tpu.memory_space<hbm>>) dst(%arg9 : memref<2048xi32, #tpu.memory_space<vmem>>)
        tpu.yield
      }) : () -> ()
      "tpu.region"() ({
        %run_scoped3A = tpu.sem_alloc : memref<!tpu.dma_semaphore, #tpu.memory_space<semaphore_mem>>
        tpu.enqueue_dma source(%arg5 : memref<2048xi32, #tpu.memory_space<hbm>>) target(%arg10 : memref<2048xi32, #tpu.memory_space<vmem>>) target_semaphore(%run_scoped3A : memref<!tpu.dma_semaphore, #tpu.memory_space<semaphore_mem>>)
        tpu.wait_dma2 semaphore(%run_scoped3A : memref<!tpu.dma_semaphore, #tpu.memory_space<semaphore_mem>>) src(%arg5 : memref<2048xi32, #tpu.memory_space<hbm>>) dst(%arg10 : memref<2048xi32, #tpu.memory_space<vmem>>)
        tpu.yield
      }) : () -> ()
      %broadcast_in_dim3A = arith.constant 0 : i32
      %broadcast_in_dim3A_4 = vector.broadcast %broadcast_in_dim3A : i32 to vector<16xi32>
      %scan3A = arith.constant 0 : i32
      %scan3A_5 = arith.constant 0 : i32
      %scan3A_6 = arith.constant 256 : i32
      %scan3A_7 = arith.addi %scan3A_5, %scan3A_6 : i32
      %scan3A_8 = arith.constant 1 : i32
      scf.for %scan3A_16 = %scan3A_5 to %scan3A_7 step %scan3A_8  : i32 {
        %mul3A = arith.constant 16 : i32
        %mul3A_17 = arith.muli %scan3A_16, %mul3A : i32
        %swap3A = arith.index_cast %mul3A_17 : i32 to index
        %swap3A_18 = tpu.vector_load %arg11[%swap3A] {strides = array<i32>} : memref<4096xi32, #tpu.memory_space<vmem>>, vector<16xi32>,
        tpu.vector_store %arg11[%swap3A], %broadcast_in_dim3A_4 {strides = array<i32>} : memref<4096xi32, #tpu.memory_space<vmem>>, vector<16xi32>,
      }
      %scan3A_9 = arith.constant 256 : i32
      %scan3A_10 = arith.constant 0 : i32
      %scan3A_11 = arith.constant 0 : i32
      %scan3A_12 = arith.constant 128 : i32
      %scan3A_13 = arith.addi %scan3A_11, %scan3A_12 : i32
      %scan3A_14 = arith.constant 1 : i32
      scf.for %scan3A_16 = %scan3A_11 to %scan3A_13 step %scan3A_14  : i32 {
        %mul3A = arith.constant 16 : i32
        %mul3A_17 = arith.muli %scan3A_16, %mul3A : i32
        %iota3A = tpu.iota {dimensions = array<i32: 0>} : vector<16xi32>
        %add3A = vector.broadcast %mul3A_17 : i32 to vector<16xi32>
        %add3A_18 = arith.addi %iota3A, %add3A : vector<16xi32>
        %get3A = arith.index_cast %mul3A_17 : i32 to index
        %get3A_19 = tpu.vector_load %arg7[%get3A] {strides = array<i32>} : memref<2048xi32, #tpu.memory_space<vmem>>, vector<16xi32>,
        %get3A_20 = arith.index_cast %mul3A_17 : i32 to index
        %get3A_21 = tpu.vector_load %arg9[%get3A_20] {strides = array<i32>} : memref<2048xi32, #tpu.memory_space<vmem>>, vector<16xi32>,
        %eq3A_22 = arith.constant 1 : i32
        %eq3A_23 = vector.broadcast %eq3A_22 : i32 to vector<16xi32>
        %eq3A_24 = arith.cmpi eq, %get3A_21, %eq3A_23 : vector<16xi32>
        tpu.vector_store_idx %arg11[%get3A_19], %add3A_18 masked %eq3A_24 : memref<4096xi32, #tpu.memory_space<vmem>>[vector<16xi32>], vector<16xi32>, vector<16xi1>
        %get3A_25 = arith.index_cast %mul3A_17 : i32 to index
        %get3A_26 = tpu.vector_load %arg8[%get3A_25] {strides = array<i32>} : memref<2048xi32, #tpu.memory_space<vmem>>, vector<16xi32>,
        %get3A_27 = arith.index_cast %mul3A_17 : i32 to index
        %get3A_28 = tpu.vector_load %arg10[%get3A_27] {strides = array<i32>} : memref<2048xi32, #tpu.memory_space<vmem>>, vector<16xi32>,
        %eq3A_29 = arith.constant 1 : i32
        %eq3A_30 = vector.broadcast %eq3A_29 : i32 to vector<16xi32>
        %eq3A_31 = arith.cmpi eq, %get3A_28, %eq3A_30 : vector<16xi32>
        tpu.vector_store_idx %arg11[%get3A_26], %add3A_18 masked %eq3A_31 : memref<4096xi32, #tpu.memory_space<vmem>>[vector<16xi32>], vector<16xi32>, vector<16xi1>
      }
      %scan3A_15 = arith.constant 128 : i32
      "tpu.region"() ({
        %run_scoped3A = tpu.sem_alloc : memref<!tpu.dma_semaphore, #tpu.memory_space<semaphore_mem>>
        tpu.enqueue_dma source(%arg11 : memref<4096xi32, #tpu.memory_space<vmem>>) target(%arg6 : memref<4096xi32, #tpu.memory_space<hbm>>) target_semaphore(%run_scoped3A : memref<!tpu.dma_semaphore, #tpu.memory_space<semaphore_mem>>)
        tpu.wait_dma2 semaphore(%run_scoped3A : memref<!tpu.dma_semaphore, #tpu.memory_space<semaphore_mem>>) src(%arg11 : memref<4096xi32, #tpu.memory_space<vmem>>) dst(%arg6 : memref<4096xi32, #tpu.memory_space<hbm>>)
        tpu.yield
      }) : () -> ()
    } else {
    }
    return
  }
}

#map = affine_map<(d0, d1) -> (0, 0)>
#map1 = affine_map<(d0, d1) -> (0)>
module attributes {stable_mosaic.version = 14 : i64} {
  func.func @_combine_body(%arg0: i32, %arg1: i32, %arg2: memref<4096x1024xf32, #tpu.memory_space<hbm>>, %arg3: memref<2048xi32, #tpu.memory_space<hbm>>, %arg4: memref<2048xi32, #tpu.memory_space<hbm>>, %arg5: memref<32768xf32, #tpu.memory_space<hbm>>, %arg6: memref<32768xf32, #tpu.memory_space<hbm>>, %arg7: memref<2048x1024xf32, #tpu.memory_space<hbm>>, %arg8: memref<32xi32, #tpu.memory_space<vmem>>, %arg9: memref<32xi32, #tpu.memory_space<vmem>>, %arg10: memref<512xf32, #tpu.memory_space<vmem>>, %arg11: memref<512xf32, #tpu.memory_space<vmem>>, %arg12: memref<32x1024xf32, #tpu.memory_space<vmem>>, %arg13: memref<32x1024xf32, #tpu.memory_space<vmem>>, %arg14: memref<!tpu.dma_semaphore, #tpu.memory_space<semaphore_mem>>) attributes {dimension_semantics = [#tpu.dimension_semantics<core_parallel>, #tpu.dimension_semantics<subcore_parallel>], iteration_bounds = array<i64: 2, 16>, scalar_prefetch = 0 : i64, scratch_operands = 7 : i64, tpu.core_type = #tpu.core_type<sc_vector_subcore>, window_params = [{transform_indices = #map}, {transform_indices = #map1}, {transform_indices = #map1}, {transform_indices = #map1}, {transform_indices = #map1}, {transform_indices = #map}]} {
    %mul3A = arith.constant 2 : i32
    %mul3A_0 = arith.muli %arg1, %mul3A : i32
    %add3A = arith.addi %mul3A_0, %arg0 : i32
    %mul3A_1 = arith.constant 64 : i32
    %mul3A_2 = arith.muli %add3A, %mul3A_1 : i32
    %add3A_3 = arith.constant 0 : i32
    %add3A_4 = arith.addi %mul3A_2, %add3A_3 : i32
    "tpu.region"() ({
      %run_scoped3A = tpu.sem_alloc : memref<!tpu.dma_semaphore, #tpu.memory_space<semaphore_mem>>
      %dma_start3A_50 = tpu.memref_slice %arg3[%add3A_4] : memref<2048xi32, #tpu.memory_space<hbm>> -> memref<32xi32, #tpu.memory_space<hbm>>
      %dma_start3A_51 = tpu.memref_slice %arg3[%add3A_4] : memref<2048xi32, #tpu.memory_space<hbm>> -> memref<32xi32, #tpu.memory_space<hbm>>
      tpu.enqueue_dma source(%dma_start3A_51 : memref<32xi32, #tpu.memory_space<hbm>>) target(%arg8 : memref<32xi32, #tpu.memory_space<vmem>>) target_semaphore(%run_scoped3A : memref<!tpu.dma_semaphore, #tpu.memory_space<semaphore_mem>>)
      %dma_wait3A_52 = tpu.memref_slice %arg3[%add3A_4] : memref<2048xi32, #tpu.memory_space<hbm>> -> memref<32xi32, #tpu.memory_space<hbm>>
      %dma_wait3A_53 = tpu.memref_slice %arg3[%add3A_4] : memref<2048xi32, #tpu.memory_space<hbm>> -> memref<32xi32, #tpu.memory_space<hbm>>
      tpu.wait_dma2 semaphore(%run_scoped3A : memref<!tpu.dma_semaphore, #tpu.memory_space<semaphore_mem>>) src(%dma_wait3A_53 : memref<32xi32, #tpu.memory_space<hbm>>) dst(%arg8 : memref<32xi32, #tpu.memory_space<vmem>>)
      tpu.yield
    }) : () -> ()
    "tpu.region"() ({
      %run_scoped3A = tpu.sem_alloc : memref<!tpu.dma_semaphore, #tpu.memory_space<semaphore_mem>>
      %dma_start3A_50 = tpu.memref_slice %arg4[%add3A_4] : memref<2048xi32, #tpu.memory_space<hbm>> -> memref<32xi32, #tpu.memory_space<hbm>>
      %dma_start3A_51 = tpu.memref_slice %arg4[%add3A_4] : memref<2048xi32, #tpu.memory_space<hbm>> -> memref<32xi32, #tpu.memory_space<hbm>>
      tpu.enqueue_dma source(%dma_start3A_51 : memref<32xi32, #tpu.memory_space<hbm>>) target(%arg9 : memref<32xi32, #tpu.memory_space<vmem>>) target_semaphore(%run_scoped3A : memref<!tpu.dma_semaphore, #tpu.memory_space<semaphore_mem>>)
      %dma_wait3A_52 = tpu.memref_slice %arg4[%add3A_4] : memref<2048xi32, #tpu.memory_space<hbm>> -> memref<32xi32, #tpu.memory_space<hbm>>
      %dma_wait3A_53 = tpu.memref_slice %arg4[%add3A_4] : memref<2048xi32, #tpu.memory_space<hbm>> -> memref<32xi32, #tpu.memory_space<hbm>>
      tpu.wait_dma2 semaphore(%run_scoped3A : memref<!tpu.dma_semaphore, #tpu.memory_space<semaphore_mem>>) src(%dma_wait3A_53 : memref<32xi32, #tpu.memory_space<hbm>>) dst(%arg9 : memref<32xi32, #tpu.memory_space<vmem>>)
      tpu.yield
    }) : () -> ()
    %mul3A_5 = arith.constant 16 : i32
    %mul3A_6 = arith.muli %add3A_4, %mul3A_5 : i32
    "tpu.region"() ({
      %run_scoped3A = tpu.sem_alloc : memref<!tpu.dma_semaphore, #tpu.memory_space<semaphore_mem>>
      %dma_start3A_50 = tpu.memref_slice %arg5[%mul3A_6] : memref<32768xf32, #tpu.memory_space<hbm>> -> memref<512xf32, #tpu.memory_space<hbm>>
      %dma_start3A_51 = tpu.memref_slice %arg5[%mul3A_6] : memref<32768xf32, #tpu.memory_space<hbm>> -> memref<512xf32, #tpu.memory_space<hbm>>
      tpu.enqueue_dma source(%dma_start3A_51 : memref<512xf32, #tpu.memory_space<hbm>>) target(%arg10 : memref<512xf32, #tpu.memory_space<vmem>>) target_semaphore(%run_scoped3A : memref<!tpu.dma_semaphore, #tpu.memory_space<semaphore_mem>>)
      %dma_wait3A_52 = tpu.memref_slice %arg5[%mul3A_6] : memref<32768xf32, #tpu.memory_space<hbm>> -> memref<512xf32, #tpu.memory_space<hbm>>
      %dma_wait3A_53 = tpu.memref_slice %arg5[%mul3A_6] : memref<32768xf32, #tpu.memory_space<hbm>> -> memref<512xf32, #tpu.memory_space<hbm>>
      tpu.wait_dma2 semaphore(%run_scoped3A : memref<!tpu.dma_semaphore, #tpu.memory_space<semaphore_mem>>) src(%dma_wait3A_53 : memref<512xf32, #tpu.memory_space<hbm>>) dst(%arg10 : memref<512xf32, #tpu.memory_space<vmem>>)
      tpu.yield
    }) : () -> ()
    %mul3A_7 = arith.constant 16 : i32
    %mul3A_8 = arith.muli %add3A_4, %mul3A_7 : i32
    "tpu.region"() ({
      %run_scoped3A = tpu.sem_alloc : memref<!tpu.dma_semaphore, #tpu.memory_space<semaphore_mem>>
      %dma_start3A_50 = tpu.memref_slice %arg6[%mul3A_8] : memref<32768xf32, #tpu.memory_space<hbm>> -> memref<512xf32, #tpu.memory_space<hbm>>
      %dma_start3A_51 = tpu.memref_slice %arg6[%mul3A_8] : memref<32768xf32, #tpu.memory_space<hbm>> -> memref<512xf32, #tpu.memory_space<hbm>>
      tpu.enqueue_dma source(%dma_start3A_51 : memref<512xf32, #tpu.memory_space<hbm>>) target(%arg11 : memref<512xf32, #tpu.memory_space<vmem>>) target_semaphore(%run_scoped3A : memref<!tpu.dma_semaphore, #tpu.memory_space<semaphore_mem>>)
      %dma_wait3A_52 = tpu.memref_slice %arg6[%mul3A_8] : memref<32768xf32, #tpu.memory_space<hbm>> -> memref<512xf32, #tpu.memory_space<hbm>>
      %dma_wait3A_53 = tpu.memref_slice %arg6[%mul3A_8] : memref<32768xf32, #tpu.memory_space<hbm>> -> memref<512xf32, #tpu.memory_space<hbm>>
      tpu.wait_dma2 semaphore(%run_scoped3A : memref<!tpu.dma_semaphore, #tpu.memory_space<semaphore_mem>>) src(%dma_wait3A_53 : memref<512xf32, #tpu.memory_space<hbm>>) dst(%arg11 : memref<512xf32, #tpu.memory_space<vmem>>)
      tpu.yield
    }) : () -> ()
    %dma_start3A = arith.constant 0 : i32
    %dma_start3A_9 = arith.constant 0 : i32
    %dma_start3A_10 = tpu.memref_slice %arg2[%dma_start3A, %dma_start3A_9] : memref<4096x1024xf32, #tpu.memory_space<hbm>> -> memref<4096x1024xf32, #tpu.memory_space<hbm>>
    tpu.enqueue_indirect_dma source(%dma_start3A_10 : memref<4096x1024xf32, #tpu.memory_space<hbm>>) target(%arg12 : memref<32x1024xf32, #tpu.memory_space<vmem>>) offsets(%arg8 : memref<32xi32, #tpu.memory_space<vmem>>) semaphore(%arg14 : memref<!tpu.dma_semaphore, #tpu.memory_space<semaphore_mem>>)
    %dma_wait3A = arith.constant 0 : i32
    %dma_wait3A_11 = arith.constant 0 : i32
    %dma_wait3A_12 = tpu.memref_slice %arg2[%dma_wait3A, %dma_wait3A_11] : memref<4096x1024xf32, #tpu.memory_space<hbm>> -> memref<4096x1024xf32, #tpu.memory_space<hbm>>
    tpu.wait_indirect_dma semaphore(%arg14 : memref<!tpu.dma_semaphore, #tpu.memory_space<semaphore_mem>>) src(%dma_wait3A_12 : memref<4096x1024xf32, #tpu.memory_space<hbm>>) dst(%arg12 : memref<32x1024xf32, #tpu.memory_space<vmem>>)
    %dma_start3A_13 = arith.constant 0 : i32
    %dma_start3A_14 = arith.constant 0 : i32
    %dma_start3A_15 = tpu.memref_slice %arg2[%dma_start3A_13, %dma_start3A_14] : memref<4096x1024xf32, #tpu.memory_space<hbm>> -> memref<4096x1024xf32, #tpu.memory_space<hbm>>
    tpu.enqueue_indirect_dma source(%dma_start3A_15 : memref<4096x1024xf32, #tpu.memory_space<hbm>>) target(%arg13 : memref<32x1024xf32, #tpu.memory_space<vmem>>) offsets(%arg9 : memref<32xi32, #tpu.memory_space<vmem>>) semaphore(%arg14 : memref<!tpu.dma_semaphore, #tpu.memory_space<semaphore_mem>>)
    %dma_wait3A_16 = arith.constant 0 : i32
    %dma_wait3A_17 = arith.constant 0 : i32
    %dma_wait3A_18 = tpu.memref_slice %arg2[%dma_wait3A_16, %dma_wait3A_17] : memref<4096x1024xf32, #tpu.memory_space<hbm>> -> memref<4096x1024xf32, #tpu.memory_space<hbm>>
    tpu.wait_indirect_dma semaphore(%arg14 : memref<!tpu.dma_semaphore, #tpu.memory_space<semaphore_mem>>) src(%dma_wait3A_18 : memref<4096x1024xf32, #tpu.memory_space<hbm>>) dst(%arg13 : memref<32x1024xf32, #tpu.memory_space<vmem>>)
    %scan3A = arith.constant 0 : i32
    %scan3A_19 = arith.constant 0 : i32
    %scan3A_20 = arith.constant 32 : i32
    %scan3A_21 = arith.addi %scan3A_19, %scan3A_20 : i32
    %scan3A_22 = arith.constant 1 : i32
    scf.for %scan3A_50 = %scan3A_19 to %scan3A_21 step %scan3A_22  : i32 {
      %mul3A_51 = arith.constant 16 : i32
      %mul3A_52 = arith.muli %scan3A_50, %mul3A_51 : i32
      %multiple_of3A = tpu.assume_multiple %mul3A_52, 16 : i32
      %get3A = arith.index_cast %multiple_of3A : i32 to index
      %get3A_53 = tpu.vector_load %arg10[%get3A] {strides = array<i32>} : memref<512xf32, #tpu.memory_space<vmem>>, vector<16xf32>,
      %mul3A_54 = arith.constant 16 : i32
      %mul3A_55 = arith.muli %scan3A_50, %mul3A_54 : i32
      %multiple_of3A_56 = tpu.assume_multiple %mul3A_55, 16 : i32
      %get3A_57 = arith.index_cast %multiple_of3A_56 : i32 to index
      %get3A_58 = tpu.vector_load %arg11[%get3A_57] {strides = array<i32>} : memref<512xf32, #tpu.memory_space<vmem>>, vector<16xf32>,
      %scan3A_59 = arith.constant 0 : i32
      %scan3A_60 = arith.constant 0 : i32
      %scan3A_61 = arith.constant 16 : i32
      %scan3A_62 = arith.addi %scan3A_60, %scan3A_61 : i32
      %scan3A_63 = arith.constant 1 : i32
      scf.for %scan3A_65 = %scan3A_60 to %scan3A_62 step %scan3A_63  : i32 {
        %mul3A_66 = arith.constant 64 : i32
        %mul3A_67 = arith.muli %scan3A_65, %mul3A_66 : i32
        %multiple_of3A_68 = tpu.assume_multiple %mul3A_67, 64 : i32
        %add3A_69 = arith.constant 0 : i32
        %add3A_70 = arith.addi %multiple_of3A_68, %add3A_69 : i32
        %get3A_71 = arith.index_cast %scan3A_50 : i32 to index
        %get3A_72 = arith.index_cast %add3A_70 : i32 to index
        %get3A_73 = tpu.vector_load %arg12[%get3A_71, %get3A_72] {strides = array<i32>} : memref<32x1024xf32, #tpu.memory_space<vmem>>, vector<16xf32>,
        %get3A_74 = arith.index_cast %scan3A_50 : i32 to index
        %get3A_75 = arith.index_cast %add3A_70 : i32 to index
        %get3A_76 = tpu.vector_load %arg13[%get3A_74, %get3A_75] {strides = array<i32>} : memref<32x1024xf32, #tpu.memory_space<vmem>>, vector<16xf32>,
        %mul3A_77 = arith.mulf %get3A_53, %get3A_73 : vector<16xf32>
        %mul3A_78 = arith.mulf %get3A_58, %get3A_76 : vector<16xf32>
        %add3A_79 = arith.addf %mul3A_77, %mul3A_78 : vector<16xf32>
        %swap3A = arith.index_cast %scan3A_50 : i32 to index
        %swap3A_80 = arith.index_cast %add3A_70 : i32 to index
        %swap3A_81 = tpu.vector_load %arg12[%swap3A, %swap3A_80] {strides = array<i32>} : memref<32x1024xf32, #tpu.memory_space<vmem>>, vector<16xf32>,
        tpu.vector_store %arg12[%swap3A, %swap3A_80], %add3A_79 {strides = array<i32>} : memref<32x1024xf32, #tpu.memory_space<vmem>>, vector<16xf32>,
        %add3A_82 = arith.constant 16 : i32
        %add3A_83 = arith.addi %multiple_of3A_68, %add3A_82 : i32
        %get3A_84 = arith.index_cast %scan3A_50 : i32 to index
        %get3A_85 = arith.index_cast %add3A_83 : i32 to index
        %get3A_86 = tpu.vector_load %arg12[%get3A_84, %get3A_85] {strides = array<i32>} : memref<32x1024xf32, #tpu.memory_space<vmem>>, vector<16xf32>,
        %get3A_87 = arith.index_cast %scan3A_50 : i32 to index
        %get3A_88 = arith.index_cast %add3A_83 : i32 to index
        %get3A_89 = tpu.vector_load %arg13[%get3A_87, %get3A_88] {strides = array<i32>} : memref<32x1024xf32, #tpu.memory_space<vmem>>, vector<16xf32>,
        %mul3A_90 = arith.mulf %get3A_53, %get3A_86 : vector<16xf32>
        %mul3A_91 = arith.mulf %get3A_58, %get3A_89 : vector<16xf32>
        %add3A_92 = arith.addf %mul3A_90, %mul3A_91 : vector<16xf32>
        %swap3A_93 = arith.index_cast %scan3A_50 : i32 to index
        %swap3A_94 = arith.index_cast %add3A_83 : i32 to index
        %swap3A_95 = tpu.vector_load %arg12[%swap3A_93, %swap3A_94] {strides = array<i32>} : memref<32x1024xf32, #tpu.memory_space<vmem>>, vector<16xf32>,
        tpu.vector_store %arg12[%swap3A_93, %swap3A_94], %add3A_92 {strides = array<i32>} : memref<32x1024xf32, #tpu.memory_space<vmem>>, vector<16xf32>,
        %add3A_96 = arith.constant 32 : i32
        %add3A_97 = arith.addi %multiple_of3A_68, %add3A_96 : i32
        %get3A_98 = arith.index_cast %scan3A_50 : i32 to index
        %get3A_99 = arith.index_cast %add3A_97 : i32 to index
        %get3A_100 = tpu.vector_load %arg12[%get3A_98, %get3A_99] {strides = array<i32>} : memref<32x1024xf32, #tpu.memory_space<vmem>>, vector<16xf32>,
        %get3A_101 = arith.index_cast %scan3A_50 : i32 to index
        %get3A_102 = arith.index_cast %add3A_97 : i32 to index
        %get3A_103 = tpu.vector_load %arg13[%get3A_101, %get3A_102] {strides = array<i32>} : memref<32x1024xf32, #tpu.memory_space<vmem>>, vector<16xf32>,
        %mul3A_104 = arith.mulf %get3A_53, %get3A_100 : vector<16xf32>
        %mul3A_105 = arith.mulf %get3A_58, %get3A_103 : vector<16xf32>
        %add3A_106 = arith.addf %mul3A_104, %mul3A_105 : vector<16xf32>
        %swap3A_107 = arith.index_cast %scan3A_50 : i32 to index
        %swap3A_108 = arith.index_cast %add3A_97 : i32 to index
        %swap3A_109 = tpu.vector_load %arg12[%swap3A_107, %swap3A_108] {strides = array<i32>} : memref<32x1024xf32, #tpu.memory_space<vmem>>, vector<16xf32>,
        tpu.vector_store %arg12[%swap3A_107, %swap3A_108], %add3A_106 {strides = array<i32>} : memref<32x1024xf32, #tpu.memory_space<vmem>>, vector<16xf32>,
        %add3A_110 = arith.constant 48 : i32
        %add3A_111 = arith.addi %multiple_of3A_68, %add3A_110 : i32
        %get3A_112 = arith.index_cast %scan3A_50 : i32 to index
        %get3A_113 = arith.index_cast %add3A_111 : i32 to index
        %get3A_114 = tpu.vector_load %arg12[%get3A_112, %get3A_113] {strides = array<i32>} : memref<32x1024xf32, #tpu.memory_space<vmem>>, vector<16xf32>,
        %get3A_115 = arith.index_cast %scan3A_50 : i32 to index
        %get3A_116 = arith.index_cast %add3A_111 : i32 to index
        %get3A_117 = tpu.vector_load %arg13[%get3A_115, %get3A_116] {strides = array<i32>} : memref<32x1024xf32, #tpu.memory_space<vmem>>, vector<16xf32>,
        %mul3A_118 = arith.mulf %get3A_53, %get3A_114 : vector<16xf32>
        %mul3A_119 = arith.mulf %get3A_58, %get3A_117 : vector<16xf32>
        %add3A_120 = arith.addf %mul3A_118, %mul3A_119 : vector<16xf32>
        %swap3A_121 = arith.index_cast %scan3A_50 : i32 to index
        %swap3A_122 = arith.index_cast %add3A_111 : i32 to index
        %swap3A_123 = tpu.vector_load %arg12[%swap3A_121, %swap3A_122] {strides = array<i32>} : memref<32x1024xf32, #tpu.memory_space<vmem>>, vector<16xf32>,
        tpu.vector_store %arg12[%swap3A_121, %swap3A_122], %add3A_120 {strides = array<i32>} : memref<32x1024xf32, #tpu.memory_space<vmem>>, vector<16xf32>,
      }
      %scan3A_64 = arith.constant 16 : i32
    }
    %scan3A_23 = arith.constant 32 : i32
    "tpu.region"() ({
      %run_scoped3A = tpu.sem_alloc : memref<!tpu.dma_semaphore, #tpu.memory_space<semaphore_mem>>
      %dma_start3A_50 = arith.constant 0 : i32
      %dma_start3A_51 = tpu.memref_slice %arg7[%add3A_4, %dma_start3A_50] : memref<2048x1024xf32, #tpu.memory_space<hbm>> -> memref<32x1024xf32, #tpu.memory_space<hbm>>
      %dma_start3A_52 = arith.constant 0 : i32
      %dma_start3A_53 = tpu.memref_slice %arg7[%add3A_4, %dma_start3A_52] : memref<2048x1024xf32, #tpu.memory_space<hbm>> -> memref<32x1024xf32, #tpu.memory_space<hbm>>
      tpu.enqueue_dma source(%arg12 : memref<32x1024xf32, #tpu.memory_space<vmem>>) target(%dma_start3A_53 : memref<32x1024xf32, #tpu.memory_space<hbm>>) target_semaphore(%run_scoped3A : memref<!tpu.dma_semaphore, #tpu.memory_space<semaphore_mem>>)
      %dma_wait3A_54 = arith.constant 0 : i32
      %dma_wait3A_55 = tpu.memref_slice %arg7[%add3A_4, %dma_wait3A_54] : memref<2048x1024xf32, #tpu.memory_space<hbm>> -> memref<32x1024xf32, #tpu.memory_space<hbm>>
      %dma_wait3A_56 = arith.constant 0 : i32
      %dma_wait3A_57 = tpu.memref_slice %arg7[%add3A_4, %dma_wait3A_56] : memref<2048x1024xf32, #tpu.memory_space<hbm>> -> memref<32x1024xf32, #tpu.memory_space<hbm>>
      tpu.wait_dma2 semaphore(%run_scoped3A : memref<!tpu.dma_semaphore, #tpu.memory_space<semaphore_mem>>) src(%arg12 : memref<32x1024xf32, #tpu.memory_space<vmem>>) dst(%dma_wait3A_57 : memref<32x1024xf32, #tpu.memory_space<hbm>>)
      tpu.yield
    }) : () -> ()
    %mul3A_24 = arith.constant 64 : i32
    %mul3A_25 = arith.muli %add3A, %mul3A_24 : i32
    %add3A_26 = arith.constant 32 : i32
    %add3A_27 = arith.addi %mul3A_25, %add3A_26 : i32
    "tpu.region"() ({
      %run_scoped3A = tpu.sem_alloc : memref<!tpu.dma_semaphore, #tpu.memory_space<semaphore_mem>>
      %dma_start3A_50 = tpu.memref_slice %arg3[%add3A_27] : memref<2048xi32, #tpu.memory_space<hbm>> -> memref<32xi32, #tpu.memory_space<hbm>>
      %dma_start3A_51 = tpu.memref_slice %arg3[%add3A_27] : memref<2048xi32, #tpu.memory_space<hbm>> -> memref<32xi32, #tpu.memory_space<hbm>>
      tpu.enqueue_dma source(%dma_start3A_51 : memref<32xi32, #tpu.memory_space<hbm>>) target(%arg8 : memref<32xi32, #tpu.memory_space<vmem>>) target_semaphore(%run_scoped3A : memref<!tpu.dma_semaphore, #tpu.memory_space<semaphore_mem>>)
      %dma_wait3A_52 = tpu.memref_slice %arg3[%add3A_27] : memref<2048xi32, #tpu.memory_space<hbm>> -> memref<32xi32, #tpu.memory_space<hbm>>
      %dma_wait3A_53 = tpu.memref_slice %arg3[%add3A_27] : memref<2048xi32, #tpu.memory_space<hbm>> -> memref<32xi32, #tpu.memory_space<hbm>>
      tpu.wait_dma2 semaphore(%run_scoped3A : memref<!tpu.dma_semaphore, #tpu.memory_space<semaphore_mem>>) src(%dma_wait3A_53 : memref<32xi32, #tpu.memory_space<hbm>>) dst(%arg8 : memref<32xi32, #tpu.memory_space<vmem>>)
      tpu.yield
    }) : () -> ()
    "tpu.region"() ({
      %run_scoped3A = tpu.sem_alloc : memref<!tpu.dma_semaphore, #tpu.memory_space<semaphore_mem>>
      %dma_start3A_50 = tpu.memref_slice %arg4[%add3A_27] : memref<2048xi32, #tpu.memory_space<hbm>> -> memref<32xi32, #tpu.memory_space<hbm>>
      %dma_start3A_51 = tpu.memref_slice %arg4[%add3A_27] : memref<2048xi32, #tpu.memory_space<hbm>> -> memref<32xi32, #tpu.memory_space<hbm>>
      tpu.enqueue_dma source(%dma_start3A_51 : memref<32xi32, #tpu.memory_space<hbm>>) target(%arg9 : memref<32xi32, #tpu.memory_space<vmem>>) target_semaphore(%run_scoped3A : memref<!tpu.dma_semaphore, #tpu.memory_space<semaphore_mem>>)
      %dma_wait3A_52 = tpu.memref_slice %arg4[%add3A_27] : memref<2048xi32, #tpu.memory_space<hbm>> -> memref<32xi32, #tpu.memory_space<hbm>>
      %dma_wait3A_53 = tpu.memref_slice %arg4[%add3A_27] : memref<2048xi32, #tpu.memory_space<hbm>> -> memref<32xi32, #tpu.memory_space<hbm>>
      tpu.wait_dma2 semaphore(%run_scoped3A : memref<!tpu.dma_semaphore, #tpu.memory_space<semaphore_mem>>) src(%dma_wait3A_53 : memref<32xi32, #tpu.memory_space<hbm>>) dst(%arg9 : memref<32xi32, #tpu.memory_space<vmem>>)
      tpu.yield
    }) : () -> ()
    %mul3A_28 = arith.constant 16 : i32
    %mul3A_29 = arith.muli %add3A_27, %mul3A_28 : i32
    "tpu.region"() ({
      %run_scoped3A = tpu.sem_alloc : memref<!tpu.dma_semaphore, #tpu.memory_space<semaphore_mem>>
      %dma_start3A_50 = tpu.memref_slice %arg5[%mul3A_29] : memref<32768xf32, #tpu.memory_space<hbm>> -> memref<512xf32, #tpu.memory_space<hbm>>
      %dma_start3A_51 = tpu.memref_slice %arg5[%mul3A_29] : memref<32768xf32, #tpu.memory_space<hbm>> -> memref<512xf32, #tpu.memory_space<hbm>>
      tpu.enqueue_dma source(%dma_start3A_51 : memref<512xf32, #tpu.memory_space<hbm>>) target(%arg10 : memref<512xf32, #tpu.memory_space<vmem>>) target_semaphore(%run_scoped3A : memref<!tpu.dma_semaphore, #tpu.memory_space<semaphore_mem>>)
      %dma_wait3A_52 = tpu.memref_slice %arg5[%mul3A_29] : memref<32768xf32, #tpu.memory_space<hbm>> -> memref<512xf32, #tpu.memory_space<hbm>>
      %dma_wait3A_53 = tpu.memref_slice %arg5[%mul3A_29] : memref<32768xf32, #tpu.memory_space<hbm>> -> memref<512xf32, #tpu.memory_space<hbm>>
      tpu.wait_dma2 semaphore(%run_scoped3A : memref<!tpu.dma_semaphore, #tpu.memory_space<semaphore_mem>>) src(%dma_wait3A_53 : memref<512xf32, #tpu.memory_space<hbm>>) dst(%arg10 : memref<512xf32, #tpu.memory_space<vmem>>)
      tpu.yield
    }) : () -> ()
    %mul3A_30 = arith.constant 16 : i32
    %mul3A_31 = arith.muli %add3A_27, %mul3A_30 : i32
    "tpu.region"() ({
      %run_scoped3A = tpu.sem_alloc : memref<!tpu.dma_semaphore, #tpu.memory_space<semaphore_mem>>
      %dma_start3A_50 = tpu.memref_slice %arg6[%mul3A_31] : memref<32768xf32, #tpu.memory_space<hbm>> -> memref<512xf32, #tpu.memory_space<hbm>>
      %dma_start3A_51 = tpu.memref_slice %arg6[%mul3A_31] : memref<32768xf32, #tpu.memory_space<hbm>> -> memref<512xf32, #tpu.memory_space<hbm>>
      tpu.enqueue_dma source(%dma_start3A_51 : memref<512xf32, #tpu.memory_space<hbm>>) target(%arg11 : memref<512xf32, #tpu.memory_space<vmem>>) target_semaphore(%run_scoped3A : memref<!tpu.dma_semaphore, #tpu.memory_space<semaphore_mem>>)
      %dma_wait3A_52 = tpu.memref_slice %arg6[%mul3A_31] : memref<32768xf32, #tpu.memory_space<hbm>> -> memref<512xf32, #tpu.memory_space<hbm>>
      %dma_wait3A_53 = tpu.memref_slice %arg6[%mul3A_31] : memref<32768xf32, #tpu.memory_space<hbm>> -> memref<512xf32, #tpu.memory_space<hbm>>
      tpu.wait_dma2 semaphore(%run_scoped3A : memref<!tpu.dma_semaphore, #tpu.memory_space<semaphore_mem>>) src(%dma_wait3A_53 : memref<512xf32, #tpu.memory_space<hbm>>) dst(%arg11 : memref<512xf32, #tpu.memory_space<vmem>>)
      tpu.yield
    }) : () -> ()
    %dma_start3A_32 = arith.constant 0 : i32
    %dma_start3A_33 = arith.constant 0 : i32
    %dma_start3A_34 = tpu.memref_slice %arg2[%dma_start3A_32, %dma_start3A_33] : memref<4096x1024xf32, #tpu.memory_space<hbm>> -> memref<4096x1024xf32, #tpu.memory_space<hbm>>
    tpu.enqueue_indirect_dma source(%dma_start3A_34 : memref<4096x1024xf32, #tpu.memory_space<hbm>>) target(%arg12 : memref<32x1024xf32, #tpu.memory_space<vmem>>) offsets(%arg8 : memref<32xi32, #tpu.memory_space<vmem>>) semaphore(%arg14 : memref<!tpu.dma_semaphore, #tpu.memory_space<semaphore_mem>>)
    %dma_wait3A_35 = arith.constant 0 : i32
    %dma_wait3A_36 = arith.constant 0 : i32
    %dma_wait3A_37 = tpu.memref_slice %arg2[%dma_wait3A_35, %dma_wait3A_36] : memref<4096x1024xf32, #tpu.memory_space<hbm>> -> memref<4096x1024xf32, #tpu.memory_space<hbm>>
    tpu.wait_indirect_dma semaphore(%arg14 : memref<!tpu.dma_semaphore, #tpu.memory_space<semaphore_mem>>) src(%dma_wait3A_37 : memref<4096x1024xf32, #tpu.memory_space<hbm>>) dst(%arg12 : memref<32x1024xf32, #tpu.memory_space<vmem>>)
    %dma_start3A_38 = arith.constant 0 : i32
    %dma_start3A_39 = arith.constant 0 : i32
    %dma_start3A_40 = tpu.memref_slice %arg2[%dma_start3A_38, %dma_start3A_39] : memref<4096x1024xf32, #tpu.memory_space<hbm>> -> memref<4096x1024xf32, #tpu.memory_space<hbm>>
    tpu.enqueue_indirect_dma source(%dma_start3A_40 : memref<4096x1024xf32, #tpu.memory_space<hbm>>) target(%arg13 : memref<32x1024xf32, #tpu.memory_space<vmem>>) offsets(%arg9 : memref<32xi32, #tpu.memory_space<vmem>>) semaphore(%arg14 : memref<!tpu.dma_semaphore, #tpu.memory_space<semaphore_mem>>)
    %dma_wait3A_41 = arith.constant 0 : i32
    %dma_wait3A_42 = arith.constant 0 : i32
    %dma_wait3A_43 = tpu.memref_slice %arg2[%dma_wait3A_41, %dma_wait3A_42] : memref<4096x1024xf32, #tpu.memory_space<hbm>> -> memref<4096x1024xf32, #tpu.memory_space<hbm>>
    tpu.wait_indirect_dma semaphore(%arg14 : memref<!tpu.dma_semaphore, #tpu.memory_space<semaphore_mem>>) src(%dma_wait3A_43 : memref<4096x1024xf32, #tpu.memory_space<hbm>>) dst(%arg13 : memref<32x1024xf32, #tpu.memory_space<vmem>>)
    %scan3A_44 = arith.constant 0 : i32
    %scan3A_45 = arith.constant 0 : i32
    %scan3A_46 = arith.constant 32 : i32
    %scan3A_47 = arith.addi %scan3A_45, %scan3A_46 : i32
    %scan3A_48 = arith.constant 1 : i32
    scf.for %scan3A_50 = %scan3A_45 to %scan3A_47 step %scan3A_48  : i32 {
      %mul3A_51 = arith.constant 16 : i32
      %mul3A_52 = arith.muli %scan3A_50, %mul3A_51 : i32
      %multiple_of3A = tpu.assume_multiple %mul3A_52, 16 : i32
      %get3A = arith.index_cast %multiple_of3A : i32 to index
      %get3A_53 = tpu.vector_load %arg10[%get3A] {strides = array<i32>} : memref<512xf32, #tpu.memory_space<vmem>>, vector<16xf32>,
      %mul3A_54 = arith.constant 16 : i32
      %mul3A_55 = arith.muli %scan3A_50, %mul3A_54 : i32
      %multiple_of3A_56 = tpu.assume_multiple %mul3A_55, 16 : i32
      %get3A_57 = arith.index_cast %multiple_of3A_56 : i32 to index
      %get3A_58 = tpu.vector_load %arg11[%get3A_57] {strides = array<i32>} : memref<512xf32, #tpu.memory_space<vmem>>, vector<16xf32>,
      %scan3A_59 = arith.constant 0 : i32
      %scan3A_60 = arith.constant 0 : i32
      %scan3A_61 = arith.constant 16 : i32
      %scan3A_62 = arith.addi %scan3A_60, %scan3A_61 : i32
      %scan3A_63 = arith.constant 1 : i32
      scf.for %scan3A_65 = %scan3A_60 to %scan3A_62 step %scan3A_63  : i32 {
        %mul3A_66 = arith.constant 64 : i32
        %mul3A_67 = arith.muli %scan3A_65, %mul3A_66 : i32
        %multiple_of3A_68 = tpu.assume_multiple %mul3A_67, 64 : i32
        %add3A_69 = arith.constant 0 : i32
        %add3A_70 = arith.addi %multiple_of3A_68, %add3A_69 : i32
        %get3A_71 = arith.index_cast %scan3A_50 : i32 to index
        %get3A_72 = arith.index_cast %add3A_70 : i32 to index
        %get3A_73 = tpu.vector_load %arg12[%get3A_71, %get3A_72] {strides = array<i32>} : memref<32x1024xf32, #tpu.memory_space<vmem>>, vector<16xf32>,
        %get3A_74 = arith.index_cast %scan3A_50 : i32 to index
        %get3A_75 = arith.index_cast %add3A_70 : i32 to index
        %get3A_76 = tpu.vector_load %arg13[%get3A_74, %get3A_75] {strides = array<i32>} : memref<32x1024xf32, #tpu.memory_space<vmem>>, vector<16xf32>,
        %mul3A_77 = arith.mulf %get3A_53, %get3A_73 : vector<16xf32>
        %mul3A_78 = arith.mulf %get3A_58, %get3A_76 : vector<16xf32>
        %add3A_79 = arith.addf %mul3A_77, %mul3A_78 : vector<16xf32>
        %swap3A = arith.index_cast %scan3A_50 : i32 to index
        %swap3A_80 = arith.index_cast %add3A_70 : i32 to index
        %swap3A_81 = tpu.vector_load %arg12[%swap3A, %swap3A_80] {strides = array<i32>} : memref<32x1024xf32, #tpu.memory_space<vmem>>, vector<16xf32>,
        tpu.vector_store %arg12[%swap3A, %swap3A_80], %add3A_79 {strides = array<i32>} : memref<32x1024xf32, #tpu.memory_space<vmem>>, vector<16xf32>,
        %add3A_82 = arith.constant 16 : i32
        %add3A_83 = arith.addi %multiple_of3A_68, %add3A_82 : i32
        %get3A_84 = arith.index_cast %scan3A_50 : i32 to index
        %get3A_85 = arith.index_cast %add3A_83 : i32 to index
        %get3A_86 = tpu.vector_load %arg12[%get3A_84, %get3A_85] {strides = array<i32>} : memref<32x1024xf32, #tpu.memory_space<vmem>>, vector<16xf32>,
        %get3A_87 = arith.index_cast %scan3A_50 : i32 to index
        %get3A_88 = arith.index_cast %add3A_83 : i32 to index
        %get3A_89 = tpu.vector_load %arg13[%get3A_87, %get3A_88] {strides = array<i32>} : memref<32x1024xf32, #tpu.memory_space<vmem>>, vector<16xf32>,
        %mul3A_90 = arith.mulf %get3A_53, %get3A_86 : vector<16xf32>
        %mul3A_91 = arith.mulf %get3A_58, %get3A_89 : vector<16xf32>
        %add3A_92 = arith.addf %mul3A_90, %mul3A_91 : vector<16xf32>
        %swap3A_93 = arith.index_cast %scan3A_50 : i32 to index
        %swap3A_94 = arith.index_cast %add3A_83 : i32 to index
        %swap3A_95 = tpu.vector_load %arg12[%swap3A_93, %swap3A_94] {strides = array<i32>} : memref<32x1024xf32, #tpu.memory_space<vmem>>, vector<16xf32>,
        tpu.vector_store %arg12[%swap3A_93, %swap3A_94], %add3A_92 {strides = array<i32>} : memref<32x1024xf32, #tpu.memory_space<vmem>>, vector<16xf32>,
        %add3A_96 = arith.constant 32 : i32
        %add3A_97 = arith.addi %multiple_of3A_68, %add3A_96 : i32
        %get3A_98 = arith.index_cast %scan3A_50 : i32 to index
        %get3A_99 = arith.index_cast %add3A_97 : i32 to index
        %get3A_100 = tpu.vector_load %arg12[%get3A_98, %get3A_99] {strides = array<i32>} : memref<32x1024xf32, #tpu.memory_space<vmem>>, vector<16xf32>,
        %get3A_101 = arith.index_cast %scan3A_50 : i32 to index
        %get3A_102 = arith.index_cast %add3A_97 : i32 to index
        %get3A_103 = tpu.vector_load %arg13[%get3A_101, %get3A_102] {strides = array<i32>} : memref<32x1024xf32, #tpu.memory_space<vmem>>, vector<16xf32>,
        %mul3A_104 = arith.mulf %get3A_53, %get3A_100 : vector<16xf32>
        %mul3A_105 = arith.mulf %get3A_58, %get3A_103 : vector<16xf32>
        %add3A_106 = arith.addf %mul3A_104, %mul3A_105 : vector<16xf32>
        %swap3A_107 = arith.index_cast %scan3A_50 : i32 to index
        %swap3A_108 = arith.index_cast %add3A_97 : i32 to index
        %swap3A_109 = tpu.vector_load %arg12[%swap3A_107, %swap3A_108] {strides = array<i32>} : memref<32x1024xf32, #tpu.memory_space<vmem>>, vector<16xf32>,
        tpu.vector_store %arg12[%swap3A_107, %swap3A_108], %add3A_106 {strides = array<i32>} : memref<32x1024xf32, #tpu.memory_space<vmem>>, vector<16xf32>,
        %add3A_110 = arith.constant 48 : i32
        %add3A_111 = arith.addi %multiple_of3A_68, %add3A_110 : i32
        %get3A_112 = arith.index_cast %scan3A_50 : i32 to index
        %get3A_113 = arith.index_cast %add3A_111 : i32 to index
        %get3A_114 = tpu.vector_load %arg12[%get3A_112, %get3A_113] {strides = array<i32>} : memref<32x1024xf32, #tpu.memory_space<vmem>>, vector<16xf32>,
        %get3A_115 = arith.index_cast %scan3A_50 : i32 to index
        %get3A_116 = arith.index_cast %add3A_111 : i32 to index
        %get3A_117 = tpu.vector_load %arg13[%get3A_115, %get3A_116] {strides = array<i32>} : memref<32x1024xf32, #tpu.memory_space<vmem>>, vector<16xf32>,
        %mul3A_118 = arith.mulf %get3A_53, %get3A_114 : vector<16xf32>
        %mul3A_119 = arith.mulf %get3A_58, %get3A_117 : vector<16xf32>
        %add3A_120 = arith.addf %mul3A_118, %mul3A_119 : vector<16xf32>
        %swap3A_121 = arith.index_cast %scan3A_50 : i32 to index
        %swap3A_122 = arith.index_cast %add3A_111 : i32 to index
        %swap3A_123 = tpu.vector_load %arg12[%swap3A_121, %swap3A_122] {strides = array<i32>} : memref<32x1024xf32, #tpu.memory_space<vmem>>, vector<16xf32>,
        tpu.vector_store %arg12[%swap3A_121, %swap3A_122], %add3A_120 {strides = array<i32>} : memref<32x1024xf32, #tpu.memory_space<vmem>>, vector<16xf32>,
      }
      %scan3A_64 = arith.constant 16 : i32
    }
    %scan3A_49 = arith.constant 32 : i32
    "tpu.region"() ({
      %run_scoped3A = tpu.sem_alloc : memref<!tpu.dma_semaphore, #tpu.memory_space<semaphore_mem>>
      %dma_start3A_50 = arith.constant 0 : i32
      %dma_start3A_51 = tpu.memref_slice %arg7[%add3A_27, %dma_start3A_50] : memref<2048x1024xf32, #tpu.memory_space<hbm>> -> memref<32x1024xf32, #tpu.memory_space<hbm>>
      %dma_start3A_52 = arith.constant 0 : i32
      %dma_start3A_53 = tpu.memref_slice %arg7[%add3A_27, %dma_start3A_52] : memref<2048x1024xf32, #tpu.memory_space<hbm>> -> memref<32x1024xf32, #tpu.memory_space<hbm>>
      tpu.enqueue_dma source(%arg12 : memref<32x1024xf32, #tpu.memory_space<vmem>>) target(%dma_start3A_53 : memref<32x1024xf32, #tpu.memory_space<hbm>>) target_semaphore(%run_scoped3A : memref<!tpu.dma_semaphore, #tpu.memory_space<semaphore_mem>>)
      %dma_wait3A_54 = arith.constant 0 : i32
      %dma_wait3A_55 = tpu.memref_slice %arg7[%add3A_27, %dma_wait3A_54] : memref<2048x1024xf32, #tpu.memory_space<hbm>> -> memref<32x1024xf32, #tpu.memory_space<hbm>>
      %dma_wait3A_56 = arith.constant 0 : i32
      %dma_wait3A_57 = tpu.memref_slice %arg7[%add3A_27, %dma_wait3A_56] : memref<2048x1024xf32, #tpu.memory_space<hbm>> -> memref<32x1024xf32, #tpu.memory_space<hbm>>
      tpu.wait_dma2 semaphore(%run_scoped3A : memref<!tpu.dma_semaphore, #tpu.memory_space<semaphore_mem>>) src(%arg12 : memref<32x1024xf32, #tpu.memory_space<vmem>>) dst(%dma_wait3A_57 : memref<32x1024xf32, #tpu.memory_space<hbm>>)
      tpu.yield
    }) : () -> ()
    return
  }
}

#map = affine_map<(d0, d1) -> (0, 0)>
#map1 = affine_map<(d0, d1) -> (0)>
module attributes {stable_mosaic.version = 14 : i64} {
  func.func @_gather_body(%arg0: i32, %arg1: i32, %arg2: memref<2048x1024xf32, #tpu.memory_space<hbm>>, %arg3: memref<4096xi32, #tpu.memory_space<hbm>>, %arg4: memref<4096x1024xf32, #tpu.memory_space<hbm>>, %arg5: memref<64xi32, #tpu.memory_space<vmem>>, %arg6: memref<64x1024xf32, #tpu.memory_space<vmem>>, %arg7: memref<!tpu.dma_semaphore, #tpu.memory_space<semaphore_mem>>) attributes {dimension_semantics = [#tpu.dimension_semantics<core_parallel>, #tpu.dimension_semantics<subcore_parallel>], iteration_bounds = array<i64: 2, 16>, scalar_prefetch = 0 : i64, scratch_operands = 3 : i64, tpu.core_type = #tpu.core_type<sc_vector_subcore>, window_params = [{transform_indices = #map}, {transform_indices = #map1}, {transform_indices = #map}]} {
    %mul3A = arith.constant 2 : i32
    %mul3A_0 = arith.muli %arg1, %mul3A : i32
    %add3A = arith.addi %mul3A_0, %arg0 : i32
    %mul3A_1 = arith.constant 128 : i32
    %mul3A_2 = arith.muli %add3A, %mul3A_1 : i32
    %add3A_3 = arith.constant 0 : i32
    %add3A_4 = arith.addi %mul3A_2, %add3A_3 : i32
    "tpu.region"() ({
      %run_scoped3A = tpu.sem_alloc : memref<!tpu.dma_semaphore, #tpu.memory_space<semaphore_mem>>
      %dma_start3A_19 = tpu.memref_slice %arg3[%add3A_4] : memref<4096xi32, #tpu.memory_space<hbm>> -> memref<64xi32, #tpu.memory_space<hbm>>
      %dma_start3A_20 = tpu.memref_slice %arg3[%add3A_4] : memref<4096xi32, #tpu.memory_space<hbm>> -> memref<64xi32, #tpu.memory_space<hbm>>
      tpu.enqueue_dma source(%dma_start3A_20 : memref<64xi32, #tpu.memory_space<hbm>>) target(%arg5 : memref<64xi32, #tpu.memory_space<vmem>>) target_semaphore(%run_scoped3A : memref<!tpu.dma_semaphore, #tpu.memory_space<semaphore_mem>>)
      %dma_wait3A_21 = tpu.memref_slice %arg3[%add3A_4] : memref<4096xi32, #tpu.memory_space<hbm>> -> memref<64xi32, #tpu.memory_space<hbm>>
      %dma_wait3A_22 = tpu.memref_slice %arg3[%add3A_4] : memref<4096xi32, #tpu.memory_space<hbm>> -> memref<64xi32, #tpu.memory_space<hbm>>
      tpu.wait_dma2 semaphore(%run_scoped3A : memref<!tpu.dma_semaphore, #tpu.memory_space<semaphore_mem>>) src(%dma_wait3A_22 : memref<64xi32, #tpu.memory_space<hbm>>) dst(%arg5 : memref<64xi32, #tpu.memory_space<vmem>>)
      tpu.yield
    }) : () -> ()
    %dma_start3A = arith.constant 0 : i32
    %dma_start3A_5 = arith.constant 0 : i32
    %dma_start3A_6 = tpu.memref_slice %arg2[%dma_start3A, %dma_start3A_5] : memref<2048x1024xf32, #tpu.memory_space<hbm>> -> memref<2048x1024xf32, #tpu.memory_space<hbm>>
    tpu.enqueue_indirect_dma source(%dma_start3A_6 : memref<2048x1024xf32, #tpu.memory_space<hbm>>) target(%arg6 : memref<64x1024xf32, #tpu.memory_space<vmem>>) offsets(%arg5 : memref<64xi32, #tpu.memory_space<vmem>>) semaphore(%arg7 : memref<!tpu.dma_semaphore, #tpu.memory_space<semaphore_mem>>)
    %dma_wait3A = arith.constant 0 : i32
    %dma_wait3A_7 = arith.constant 0 : i32
    %dma_wait3A_8 = tpu.memref_slice %arg2[%dma_wait3A, %dma_wait3A_7] : memref<2048x1024xf32, #tpu.memory_space<hbm>> -> memref<2048x1024xf32, #tpu.memory_space<hbm>>
    tpu.wait_indirect_dma semaphore(%arg7 : memref<!tpu.dma_semaphore, #tpu.memory_space<semaphore_mem>>) src(%dma_wait3A_8 : memref<2048x1024xf32, #tpu.memory_space<hbm>>) dst(%arg6 : memref<64x1024xf32, #tpu.memory_space<vmem>>)
    "tpu.region"() ({
      %run_scoped3A = tpu.sem_alloc : memref<!tpu.dma_semaphore, #tpu.memory_space<semaphore_mem>>
      %dma_start3A_19 = arith.constant 0 : i32
      %dma_start3A_20 = tpu.memref_slice %arg4[%add3A_4, %dma_start3A_19] : memref<4096x1024xf32, #tpu.memory_space<hbm>> -> memref<64x1024xf32, #tpu.memory_space<hbm>>
      %dma_start3A_21 = arith.constant 0 : i32
      %dma_start3A_22 = tpu.memref_slice %arg4[%add3A_4, %dma_start3A_21] : memref<4096x1024xf32, #tpu.memory_space<hbm>> -> memref<64x1024xf32, #tpu.memory_space<hbm>>
      tpu.enqueue_dma source(%arg6 : memref<64x1024xf32, #tpu.memory_space<vmem>>) target(%dma_start3A_22 : memref<64x1024xf32, #tpu.memory_space<hbm>>) target_semaphore(%run_scoped3A : memref<!tpu.dma_semaphore, #tpu.memory_space<semaphore_mem>>)
      %dma_wait3A_23 = arith.constant 0 : i32
      %dma_wait3A_24 = tpu.memref_slice %arg4[%add3A_4, %dma_wait3A_23] : memref<4096x1024xf32, #tpu.memory_space<hbm>> -> memref<64x1024xf32, #tpu.memory_space<hbm>>
      %dma_wait3A_25 = arith.constant 0 : i32
      %dma_wait3A_26 = tpu.memref_slice %arg4[%add3A_4, %dma_wait3A_25] : memref<4096x1024xf32, #tpu.memory_space<hbm>> -> memref<64x1024xf32, #tpu.memory_space<hbm>>
      tpu.wait_dma2 semaphore(%run_scoped3A : memref<!tpu.dma_semaphore, #tpu.memory_space<semaphore_mem>>) src(%arg6 : memref<64x1024xf32, #tpu.memory_space<vmem>>) dst(%dma_wait3A_26 : memref<64x1024xf32, #tpu.memory_space<hbm>>)
      tpu.yield
    }) : () -> ()
    %mul3A_9 = arith.constant 128 : i32
    %mul3A_10 = arith.muli %add3A, %mul3A_9 : i32
    %add3A_11 = arith.constant 64 : i32
    %add3A_12 = arith.addi %mul3A_10, %add3A_11 : i32
    "tpu.region"() ({
      %run_scoped3A = tpu.sem_alloc : memref<!tpu.dma_semaphore, #tpu.memory_space<semaphore_mem>>
      %dma_start3A_19 = tpu.memref_slice %arg3[%add3A_12] : memref<4096xi32, #tpu.memory_space<hbm>> -> memref<64xi32, #tpu.memory_space<hbm>>
      %dma_start3A_20 = tpu.memref_slice %arg3[%add3A_12] : memref<4096xi32, #tpu.memory_space<hbm>> -> memref<64xi32, #tpu.memory_space<hbm>>
      tpu.enqueue_dma source(%dma_start3A_20 : memref<64xi32, #tpu.memory_space<hbm>>) target(%arg5 : memref<64xi32, #tpu.memory_space<vmem>>) target_semaphore(%run_scoped3A : memref<!tpu.dma_semaphore, #tpu.memory_space<semaphore_mem>>)
      %dma_wait3A_21 = tpu.memref_slice %arg3[%add3A_12] : memref<4096xi32, #tpu.memory_space<hbm>> -> memref<64xi32, #tpu.memory_space<hbm>>
      %dma_wait3A_22 = tpu.memref_slice %arg3[%add3A_12] : memref<4096xi32, #tpu.memory_space<hbm>> -> memref<64xi32, #tpu.memory_space<hbm>>
      tpu.wait_dma2 semaphore(%run_scoped3A : memref<!tpu.dma_semaphore, #tpu.memory_space<semaphore_mem>>) src(%dma_wait3A_22 : memref<64xi32, #tpu.memory_space<hbm>>) dst(%arg5 : memref<64xi32, #tpu.memory_space<vmem>>)
      tpu.yield
    }) : () -> ()
    %dma_start3A_13 = arith.constant 0 : i32
    %dma_start3A_14 = arith.constant 0 : i32
    %dma_start3A_15 = tpu.memref_slice %arg2[%dma_start3A_13, %dma_start3A_14] : memref<2048x1024xf32, #tpu.memory_space<hbm>> -> memref<2048x1024xf32, #tpu.memory_space<hbm>>
    tpu.enqueue_indirect_dma source(%dma_start3A_15 : memref<2048x1024xf32, #tpu.memory_space<hbm>>) target(%arg6 : memref<64x1024xf32, #tpu.memory_space<vmem>>) offsets(%arg5 : memref<64xi32, #tpu.memory_space<vmem>>) semaphore(%arg7 : memref<!tpu.dma_semaphore, #tpu.memory_space<semaphore_mem>>)
    %dma_wait3A_16 = arith.constant 0 : i32
    %dma_wait3A_17 = arith.constant 0 : i32
    %dma_wait3A_18 = tpu.memref_slice %arg2[%dma_wait3A_16, %dma_wait3A_17] : memref<2048x1024xf32, #tpu.memory_space<hbm>> -> memref<2048x1024xf32, #tpu.memory_space<hbm>>
    tpu.wait_indirect_dma semaphore(%arg7 : memref<!tpu.dma_semaphore, #tpu.memory_space<semaphore_mem>>) src(%dma_wait3A_18 : memref<2048x1024xf32, #tpu.memory_space<hbm>>) dst(%arg6 : memref<64x1024xf32, #tpu.memory_space<vmem>>)
    "tpu.region"() ({
      %run_scoped3A = tpu.sem_alloc : memref<!tpu.dma_semaphore, #tpu.memory_space<semaphore_mem>>
      %dma_start3A_19 = arith.constant 0 : i32
      %dma_start3A_20 = tpu.memref_slice %arg4[%add3A_12, %dma_start3A_19] : memref<4096x1024xf32, #tpu.memory_space<hbm>> -> memref<64x1024xf32, #tpu.memory_space<hbm>>
      %dma_start3A_21 = arith.constant 0 : i32
      %dma_start3A_22 = tpu.memref_slice %arg4[%add3A_12, %dma_start3A_21] : memref<4096x1024xf32, #tpu.memory_space<hbm>> -> memref<64x1024xf32, #tpu.memory_space<hbm>>
      tpu.enqueue_dma source(%arg6 : memref<64x1024xf32, #tpu.memory_space<vmem>>) target(%dma_start3A_22 : memref<64x1024xf32, #tpu.memory_space<hbm>>) target_semaphore(%run_scoped3A : memref<!tpu.dma_semaphore, #tpu.memory_space<semaphore_mem>>)
      %dma_wait3A_23 = arith.constant 0 : i32
      %dma_wait3A_24 = tpu.memref_slice %arg4[%add3A_12, %dma_wait3A_23] : memref<4096x1024xf32, #tpu.memory_space<hbm>> -> memref<64x1024xf32, #tpu.memory_space<hbm>>
      %dma_wait3A_25 = arith.constant 0 : i32
      %dma_wait3A_26 = tpu.memref_slice %arg4[%add3A_12, %dma_wait3A_25] : memref<4096x1024xf32, #tpu.memory_space<hbm>> -> memref<64x1024xf32, #tpu.memory_space<hbm>>
      tpu.wait_dma2 semaphore(%run_scoped3A : memref<!tpu.dma_semaphore, #tpu.memory_space<semaphore_mem>>) src(%arg6 : memref<64x1024xf32, #tpu.memory_space<vmem>>) dst(%dma_wait3A_26 : memref<64x1024xf32, #tpu.memory_space<hbm>>)
      tpu.yield
    }) : () -> ()
    return
  }
}

module attributes {stable_mosaic.version = 14 : i64} {
  func.func @_router_body(%arg0: memref<2048x1024xf32, #tpu.memory_space<vmem>>, %arg1: memref<1024x128xf32, #tpu.memory_space<vmem>>, %arg2: memref<1x128xf32, #tpu.memory_space<vmem>>, %arg3: memref<1024x128xf32, #tpu.memory_space<vmem>>, %arg4: memref<1x128xf32, #tpu.memory_space<vmem>>, %arg5: memref<2048x128xf32, #tpu.memory_space<vmem>>, %arg6: memref<2048x1xi32, #tpu.memory_space<vmem>>, %arg7: memref<2048x1xi32, #tpu.memory_space<vmem>>, %arg8: memref<2048x1xi32, #tpu.memory_space<vmem>>, %arg9: memref<2048x1xi32, #tpu.memory_space<vmem>>, %arg10: memref<2048x16xf32, #tpu.memory_space<vmem>>, %arg11: memref<2048x16xf32, #tpu.memory_space<vmem>>, %arg12: memref<1x1xf32, #tpu.memory_space<vmem>>) attributes {dimension_semantics = [], scalar_prefetch = 0 : i64, scratch_operands = 0 : i64, tpu.core_type = #tpu.core_type<tc>} {
    %get3A = arith.constant 0 : index
    %get3A_0 = arith.constant 0 : index
    %get3A_1 = vector.load %arg0[%get3A, %get3A_0] : memref<2048x1024xf32, #tpu.memory_space<vmem>>, vector<2048x1024xf32>
    %get3A_2 = arith.constant 0 : index
    %get3A_3 = arith.constant 0 : index
    %get3A_4 = vector.load %arg1[%get3A_2, %get3A_3] : memref<1024x128xf32, #tpu.memory_space<vmem>>, vector<1024x128xf32>
    %dot_general3A = arith.constant dense<0.000000e+00> : vector<2048x128xf32>
    %dot_general3A_5 = tpu.matmul %get3A_1, %get3A_4, %dot_general3A {dimension_numbers = #tpu.dot_dimension_numbers<[1], [0], [0], [1], [0, 0, 1, 1], [], []>, transpose_lhs_hint = false} : vector<2048x1024xf32>, vector<1024x128xf32>, vector<2048x128xf32> -> vector<2048x128xf32>
    %get3A_6 = arith.constant 0 : index
    %get3A_7 = arith.constant 0 : index
    %get3A_8 = vector.load %arg2[%get3A_6, %get3A_7] : memref<1x128xf32, #tpu.memory_space<vmem>>, vector<1x128xf32>
    %add3A = vector.broadcast %get3A_8 : vector<1x128xf32> to vector<2048x128xf32>
    %add3A_9 = arith.addf %dot_general3A_5, %add3A : vector<2048x128xf32>
    %get3A_10 = arith.constant 0 : index
    %get3A_11 = arith.constant 0 : index
    %get3A_12 = vector.load %arg3[%get3A_10, %get3A_11] : memref<1024x128xf32, #tpu.memory_space<vmem>>, vector<1024x128xf32>
    %dot_general3A_13 = arith.constant dense<0.000000e+00> : vector<2048x128xf32>
    %dot_general3A_14 = tpu.matmul %get3A_1, %get3A_12, %dot_general3A_13 {dimension_numbers = #tpu.dot_dimension_numbers<[1], [0], [0], [1], [0, 0, 1, 1], [], []>, transpose_lhs_hint = false} : vector<2048x1024xf32>, vector<1024x128xf32>, vector<2048x128xf32> -> vector<2048x128xf32>
    %get3A_15 = arith.constant 0 : index
    %get3A_16 = arith.constant 0 : index
    %get3A_17 = vector.load %arg4[%get3A_15, %get3A_16] : memref<1x128xf32, #tpu.memory_space<vmem>>, vector<1x128xf32>
    %add3A_18 = vector.broadcast %get3A_17 : vector<1x128xf32> to vector<2048x128xf32>
    %add3A_19 = arith.addf %dot_general3A_14, %add3A_18 : vector<2048x128xf32>
    %max3A = arith.constant 0.000000e+00 : f32
    %max3A_20 = vector.broadcast %max3A : f32 to vector<2048x128xf32>
    %max3A_21 = arith.maximumf %add3A_19, %max3A_20 : vector<2048x128xf32>
    %abs3A = math.absf %add3A_19 : vector<2048x128xf32>
    %neg3A = arith.constant 0.000000e+00 : f32
    %neg3A_22 = vector.broadcast %neg3A : f32 to vector<2048x128xf32>
    %neg3A_23 = arith.subf %neg3A_22, %abs3A : vector<2048x128xf32>
    %exp3A = math.exp %neg3A_23 : vector<2048x128xf32>
    %add3A_24 = arith.constant 1.000000e+00 : f32
    %add3A_25 = vector.broadcast %add3A_24 : f32 to vector<2048x128xf32>
    %add3A_26 = arith.addf %add3A_25, %exp3A : vector<2048x128xf32>
    %log3A = math.log %add3A_26 : vector<2048x128xf32>
    %add3A_27 = arith.addf %max3A_21, %log3A : vector<2048x128xf32>
    %get3A_28 = arith.constant 0 : index
    %get3A_29 = arith.constant 0 : index
    %get3A_30 = vector.load %arg5[%get3A_28, %get3A_29] : memref<2048x128xf32, #tpu.memory_space<vmem>>, vector<2048x128xf32>
    %mul3A = arith.mulf %get3A_30, %add3A_27 : vector<2048x128xf32>
    %add3A_31 = arith.addf %add3A_9, %mul3A : vector<2048x128xf32>
    %iota3A = tpu.iota {dimensions = array<i32: 1>} : vector<2048x128xi32>
    %lt3A = arith.constant 8 : i32
    %lt3A_32 = vector.broadcast %lt3A : i32 to vector<2048x128xi32>
    %lt3A_33 = arith.cmpi slt, %iota3A, %lt3A_32 : vector<2048x128xi32>
    %jit3A = arith.constant -1.000000e+30 : f32
    %broadcast_in_dim3A = vector.broadcast %jit3A : f32 to vector<2048x128xf32>
    %select_n3A = arith.select %lt3A_33, %add3A_31, %broadcast_in_dim3A : vector<2048x128xi1>, vector<2048x128xf32>
    %reduce_max3A = arith.constant dense<0xFF800000> : vector<2048xf32>
    %reduce_max3A_34 = vector.multi_reduction <maximumf>, %select_n3A, %reduce_max3A [1] : vector<2048x128xf32> to vector<2048xf32>
    %broadcast_in_dim3A_35 = vector.shape_cast %reduce_max3A_34 : vector<2048xf32> to vector<2048x1xf32>
    %eq3A = vector.broadcast %broadcast_in_dim3A_35 : vector<2048x1xf32> to vector<2048x128xf32>
    %eq3A_36 = arith.cmpf oeq, %select_n3A, %eq3A : vector<2048x128xf32>
    %jit3A_37 = arith.constant 1000000000 : i32
    %broadcast_in_dim3A_38 = vector.broadcast %jit3A_37 : i32 to vector<2048x128xi32>
    %select_n3A_39 = arith.select %eq3A_36, %iota3A, %broadcast_in_dim3A_38 : vector<2048x128xi1>, vector<2048x128xi32>
    %reduce_min3A = arith.constant dense<2147483647> : vector<2048xi32>
    %reduce_min3A_40 = vector.multi_reduction <minsi>, %select_n3A_39, %reduce_min3A [1] : vector<2048x128xi32> to vector<2048xi32>
    %broadcast_in_dim3A_41 = vector.shape_cast %reduce_min3A_40 : vector<2048xi32> to vector<2048x1xi32>
    %eq3A_42 = vector.broadcast %broadcast_in_dim3A_41 : vector<2048x1xi32> to vector<2048x128xi32>
    %eq3A_43 = arith.cmpi eq, %iota3A, %eq3A_42 : vector<2048x128xi32>
    %jit3A_44 = arith.constant -1.000000e+30 : f32
    %broadcast_in_dim3A_45 = vector.broadcast %jit3A_44 : f32 to vector<2048x128xf32>
    %select_n3A_46 = arith.select %eq3A_43, %broadcast_in_dim3A_45, %select_n3A : vector<2048x128xi1>, vector<2048x128xf32>
    %reduce_max3A_47 = arith.constant dense<0xFF800000> : vector<2048xf32>
    %reduce_max3A_48 = vector.multi_reduction <maximumf>, %select_n3A_46, %reduce_max3A_47 [1] : vector<2048x128xf32> to vector<2048xf32>
    %broadcast_in_dim3A_49 = vector.shape_cast %reduce_max3A_48 : vector<2048xf32> to vector<2048x1xf32>
    %eq3A_50 = vector.broadcast %broadcast_in_dim3A_49 : vector<2048x1xf32> to vector<2048x128xf32>
    %eq3A_51 = arith.cmpf oeq, %select_n3A_46, %eq3A_50 : vector<2048x128xf32>
    %jit3A_52 = arith.constant 1000000000 : i32
    %broadcast_in_dim3A_53 = vector.broadcast %jit3A_52 : i32 to vector<2048x128xi32>
    %select_n3A_54 = arith.select %eq3A_51, %iota3A, %broadcast_in_dim3A_53 : vector<2048x128xi1>, vector<2048x128xi32>
    %reduce_min3A_55 = arith.constant dense<2147483647> : vector<2048xi32>
    %reduce_min3A_56 = vector.multi_reduction <minsi>, %select_n3A_54, %reduce_min3A_55 [1] : vector<2048x128xi32> to vector<2048xi32>
    %broadcast_in_dim3A_57 = vector.shape_cast %reduce_min3A_56 : vector<2048xi32> to vector<2048x1xi32>
    %sub3A = arith.subf %broadcast_in_dim3A_49, %broadcast_in_dim3A_35 : vector<2048x1xf32>
    %exp3A_58 = math.exp %sub3A : vector<2048x1xf32>
    %add3A_59 = arith.constant 1.000000e+00 : f32
    %add3A_60 = vector.broadcast %add3A_59 : f32 to vector<2048x1xf32>
    %add3A_61 = arith.addf %add3A_60, %exp3A_58 : vector<2048x1xf32>
    %div3A = arith.constant 1.000000e+00 : f32
    %div3A_62 = vector.broadcast %div3A : f32 to vector<2048x1xf32>
    %div3A_63 = arith.divf %div3A_62, %add3A_61 : vector<2048x1xf32>
    %div3A_64 = arith.divf %exp3A_58, %add3A_61 : vector<2048x1xf32>
    %eq3A_65 = vector.broadcast %broadcast_in_dim3A_41 : vector<2048x1xi32> to vector<2048x128xi32>
    %eq3A_66 = arith.cmpi eq, %iota3A, %eq3A_65 : vector<2048x128xi32>
    %jit3A_67 = arith.constant 0.000000e+00 : f32
    %broadcast_in_dim3A_68 = vector.shape_cast %div3A_63 : vector<2048x1xf32> to vector<2048x1xf32>
    %broadcast_in_dim3A_69 = vector.broadcast %broadcast_in_dim3A_68 : vector<2048x1xf32> to vector<2048x128xf32>
    %broadcast_in_dim3A_70 = vector.broadcast %jit3A_67 : f32 to vector<2048x128xf32>
    %select_n3A_71 = arith.select %eq3A_66, %broadcast_in_dim3A_69, %broadcast_in_dim3A_70 : vector<2048x128xi1>, vector<2048x128xf32>
    %eq3A_72 = vector.broadcast %broadcast_in_dim3A_57 : vector<2048x1xi32> to vector<2048x128xi32>
    %eq3A_73 = arith.cmpi eq, %iota3A, %eq3A_72 : vector<2048x128xi32>
    %jit3A_74 = arith.constant 0.000000e+00 : f32
    %broadcast_in_dim3A_75 = vector.shape_cast %div3A_64 : vector<2048x1xf32> to vector<2048x1xf32>
    %broadcast_in_dim3A_76 = vector.broadcast %broadcast_in_dim3A_75 : vector<2048x1xf32> to vector<2048x128xf32>
    %broadcast_in_dim3A_77 = vector.broadcast %jit3A_74 : f32 to vector<2048x128xf32>
    %select_n3A_78 = arith.select %eq3A_73, %broadcast_in_dim3A_76, %broadcast_in_dim3A_77 : vector<2048x128xi1>, vector<2048x128xf32>
    %add3A_79 = arith.addf %select_n3A_71, %select_n3A_78 : vector<2048x128xf32>
    %reduce_sum3A = arith.constant dense<0.000000e+00> : vector<128xf32>
    %reduce_sum3A_80 = vector.multi_reduction <add>, %add3A_79, %reduce_sum3A [0] : vector<2048x128xf32> to vector<128xf32>
    %broadcast_in_dim3A_81 = vector.shape_cast %reduce_sum3A_80 : vector<128xf32> to vector<1x128xf32>
    %mul3A_82 = arith.constant 4.8828125E-4 : f32
    %mul3A_83 = vector.broadcast %mul3A_82 : f32 to vector<1x128xf32>
    %mul3A_84 = arith.mulf %broadcast_in_dim3A_81, %mul3A_83 : vector<1x128xf32>
    %slice3A = vector.extract_strided_slice %iota3A {offsets = [0, 0], sizes = [1, 128], strides = [1, 1]} : vector<2048x128xi32> to vector<1x128xi32>
    %lt3A_85 = arith.constant 8 : i32
    %lt3A_86 = vector.broadcast %lt3A_85 : i32 to vector<1x128xi32>
    %lt3A_87 = arith.cmpi slt, %slice3A, %lt3A_86 : vector<1x128xi32>
    %sub3A_88 = arith.constant 1.250000e-01 : f32
    %sub3A_89 = vector.broadcast %sub3A_88 : f32 to vector<1x128xf32>
    %sub3A_90 = arith.subf %mul3A_84, %sub3A_89 : vector<1x128xf32>
    %jit3A_91 = arith.constant 0.000000e+00 : f32
    %broadcast_in_dim3A_92 = vector.broadcast %jit3A_91 : f32 to vector<1x128xf32>
    %select_n3A_93 = arith.select %lt3A_87, %sub3A_90, %broadcast_in_dim3A_92 : vector<1x128xi1>, vector<1x128xf32>
    %mul3A_94 = arith.mulf %select_n3A_93, %select_n3A_93 : vector<1x128xf32>
    %reduce_sum3A_95 = vector.shape_cast %mul3A_94 : vector<1x128xf32> to vector<1x1x128xf32>
    %reduce_sum3A_96 = arith.constant dense<0.000000e+00> : vector<1xf32>
    %reduce_sum3A_97 = vector.multi_reduction <add>, %reduce_sum3A_95, %reduce_sum3A_96 [1, 2] : vector<1x1x128xf32> to vector<1xf32>
    %reduce_sum3A_98 = vector.shape_cast %reduce_sum3A_97 : vector<1xf32> to vector<1x1x1xf32>
    %reduce_sum3A_99 = vector.extract %reduce_sum3A_98[0, 0, 0] : f32 from vector<1x1x1xf32>
    %broadcast_in_dim3A_100 = vector.broadcast %reduce_sum3A_99 : f32 to vector<1x1xf32>
    %swap3A = arith.constant 0 : index
    %swap3A_101 = arith.constant 0 : index
    %swap3A_102 = vector.load %arg12[%swap3A, %swap3A_101] : memref<1x1xf32, #tpu.memory_space<vmem>>, vector<1x1xf32>
    tpu.vector_store %arg12[%swap3A, %swap3A_101], %broadcast_in_dim3A_100 {strides = array<i32>} : memref<1x1xf32, #tpu.memory_space<vmem>>, vector<1x1xf32>,
    %eq3A_103 = vector.broadcast %broadcast_in_dim3A_41 : vector<2048x1xi32> to vector<2048x128xi32>
    %eq3A_104 = arith.cmpi eq, %iota3A, %eq3A_103 : vector<2048x128xi32>
    %eq3A_105 = vector.broadcast %broadcast_in_dim3A_57 : vector<2048x1xi32> to vector<2048x128xi32>
    %eq3A_106 = arith.cmpi eq, %iota3A, %eq3A_105 : vector<2048x128xi32>
    %or3A = arith.ori %eq3A_104, %eq3A_106 : vector<2048x128xi1>
    %convert_element_type3A = arith.extui %or3A : vector<2048x128xi1> to vector<2048x128xi32>
    %broadcast_in_dim3A_107 = arith.constant 0 : i32
    %broadcast_in_dim3A_108 = vector.broadcast %broadcast_in_dim3A_107 : i32 to vector<1x128xi32>
    %slice3A_109 = vector.extract_strided_slice %convert_element_type3A {offsets = [0, 0], sizes = [2047, 128], strides = [1, 1]} : vector<2048x128xi32> to vector<2047x128xi32>
    %concatenate3A = tpu.concatenate %broadcast_in_dim3A_108, %slice3A_109 in 0 : vector<1x128xi32>, vector<2047x128xi32> -> vector<2048x128xi32>
    %add3A_110 = arith.addi %convert_element_type3A, %concatenate3A : vector<2048x128xi32>
    %broadcast_in_dim3A_111 = arith.constant 0 : i32
    %broadcast_in_dim3A_112 = vector.broadcast %broadcast_in_dim3A_111 : i32 to vector<2x128xi32>
    %slice3A_113 = vector.extract_strided_slice %add3A_110 {offsets = [0, 0], sizes = [2046, 128], strides = [1, 1]} : vector<2048x128xi32> to vector<2046x128xi32>
    %concatenate3A_114 = tpu.concatenate %broadcast_in_dim3A_112, %slice3A_113 in 0 : vector<2x128xi32>, vector<2046x128xi32> -> vector<2048x128xi32>
    %add3A_115 = arith.addi %add3A_110, %concatenate3A_114 : vector<2048x128xi32>
    %broadcast_in_dim3A_116 = arith.constant 0 : i32
    %broadcast_in_dim3A_117 = vector.broadcast %broadcast_in_dim3A_116 : i32 to vector<4x128xi32>
    %slice3A_118 = vector.extract_strided_slice %add3A_115 {offsets = [0, 0], sizes = [2044, 128], strides = [1, 1]} : vector<2048x128xi32> to vector<2044x128xi32>
    %concatenate3A_119 = tpu.concatenate %broadcast_in_dim3A_117, %slice3A_118 in 0 : vector<4x128xi32>, vector<2044x128xi32> -> vector<2048x128xi32>
    %add3A_120 = arith.addi %add3A_115, %concatenate3A_119 : vector<2048x128xi32>
    %broadcast_in_dim3A_121 = arith.constant 0 : i32
    %broadcast_in_dim3A_122 = vector.broadcast %broadcast_in_dim3A_121 : i32 to vector<8x128xi32>
    %slice3A_123 = vector.extract_strided_slice %add3A_120 {offsets = [0, 0], sizes = [2040, 128], strides = [1, 1]} : vector<2048x128xi32> to vector<2040x128xi32>
    %concatenate3A_124 = tpu.concatenate %broadcast_in_dim3A_122, %slice3A_123 in 0 : vector<8x128xi32>, vector<2040x128xi32> -> vector<2048x128xi32>
    %add3A_125 = arith.addi %add3A_120, %concatenate3A_124 : vector<2048x128xi32>
    %broadcast_in_dim3A_126 = arith.constant 0 : i32
    %broadcast_in_dim3A_127 = vector.broadcast %broadcast_in_dim3A_126 : i32 to vector<16x128xi32>
    %slice3A_128 = vector.extract_strided_slice %add3A_125 {offsets = [0, 0], sizes = [2032, 128], strides = [1, 1]} : vector<2048x128xi32> to vector<2032x128xi32>
    %concatenate3A_129 = tpu.concatenate %broadcast_in_dim3A_127, %slice3A_128 in 0 : vector<16x128xi32>, vector<2032x128xi32> -> vector<2048x128xi32>
    %add3A_130 = arith.addi %add3A_125, %concatenate3A_129 : vector<2048x128xi32>
    %broadcast_in_dim3A_131 = arith.constant 0 : i32
    %broadcast_in_dim3A_132 = vector.broadcast %broadcast_in_dim3A_131 : i32 to vector<32x128xi32>
    %slice3A_133 = vector.extract_strided_slice %add3A_130 {offsets = [0, 0], sizes = [2016, 128], strides = [1, 1]} : vector<2048x128xi32> to vector<2016x128xi32>
    %concatenate3A_134 = tpu.concatenate %broadcast_in_dim3A_132, %slice3A_133 in 0 : vector<32x128xi32>, vector<2016x128xi32> -> vector<2048x128xi32>
    %add3A_135 = arith.addi %add3A_130, %concatenate3A_134 : vector<2048x128xi32>
    %broadcast_in_dim3A_136 = arith.constant 0 : i32
    %broadcast_in_dim3A_137 = vector.broadcast %broadcast_in_dim3A_136 : i32 to vector<64x128xi32>
    %slice3A_138 = vector.extract_strided_slice %add3A_135 {offsets = [0, 0], sizes = [1984, 128], strides = [1, 1]} : vector<2048x128xi32> to vector<1984x128xi32>
    %concatenate3A_139 = tpu.concatenate %broadcast_in_dim3A_137, %slice3A_138 in 0 : vector<64x128xi32>, vector<1984x128xi32> -> vector<2048x128xi32>
    %add3A_140 = arith.addi %add3A_135, %concatenate3A_139 : vector<2048x128xi32>
    %broadcast_in_dim3A_141 = arith.constant 0 : i32
    %broadcast_in_dim3A_142 = vector.broadcast %broadcast_in_dim3A_141 : i32 to vector<128x128xi32>
    %slice3A_143 = vector.extract_strided_slice %add3A_140 {offsets = [0, 0], sizes = [1920, 128], strides = [1, 1]} : vector<2048x128xi32> to vector<1920x128xi32>
    %concatenate3A_144 = tpu.concatenate %broadcast_in_dim3A_142, %slice3A_143 in 0 : vector<128x128xi32>, vector<1920x128xi32> -> vector<2048x128xi32>
    %add3A_145 = arith.addi %add3A_140, %concatenate3A_144 : vector<2048x128xi32>
    %broadcast_in_dim3A_146 = arith.constant 0 : i32
    %broadcast_in_dim3A_147 = vector.broadcast %broadcast_in_dim3A_146 : i32 to vector<256x128xi32>
    %slice3A_148 = vector.extract_strided_slice %add3A_145 {offsets = [0, 0], sizes = [1792, 128], strides = [1, 1]} : vector<2048x128xi32> to vector<1792x128xi32>
    %concatenate3A_149 = tpu.concatenate %broadcast_in_dim3A_147, %slice3A_148 in 0 : vector<256x128xi32>, vector<1792x128xi32> -> vector<2048x128xi32>
    %add3A_150 = arith.addi %add3A_145, %concatenate3A_149 : vector<2048x128xi32>
    %broadcast_in_dim3A_151 = arith.constant 0 : i32
    %broadcast_in_dim3A_152 = vector.broadcast %broadcast_in_dim3A_151 : i32 to vector<512x128xi32>
    %slice3A_153 = vector.extract_strided_slice %add3A_150 {offsets = [0, 0], sizes = [1536, 128], strides = [1, 1]} : vector<2048x128xi32> to vector<1536x128xi32>
    %concatenate3A_154 = tpu.concatenate %broadcast_in_dim3A_152, %slice3A_153 in 0 : vector<512x128xi32>, vector<1536x128xi32> -> vector<2048x128xi32>
    %add3A_155 = arith.addi %add3A_150, %concatenate3A_154 : vector<2048x128xi32>
    %broadcast_in_dim3A_156 = arith.constant 0 : i32
    %broadcast_in_dim3A_157 = vector.broadcast %broadcast_in_dim3A_156 : i32 to vector<1024x128xi32>
    %slice3A_158 = vector.extract_strided_slice %add3A_155 {offsets = [0, 0], sizes = [1024, 128], strides = [1, 1]} : vector<2048x128xi32> to vector<1024x128xi32>
    %concatenate3A_159 = tpu.concatenate %broadcast_in_dim3A_157, %slice3A_158 in 0 : vector<1024x128xi32>, vector<1024x128xi32> -> vector<2048x128xi32>
    %add3A_160 = arith.addi %add3A_155, %concatenate3A_159 : vector<2048x128xi32>
    %sub3A_161 = arith.subi %add3A_160, %convert_element_type3A : vector<2048x128xi32>
    %eq3A_162 = vector.broadcast %broadcast_in_dim3A_41 : vector<2048x1xi32> to vector<2048x128xi32>
    %eq3A_163 = arith.cmpi eq, %iota3A, %eq3A_162 : vector<2048x128xi32>
    %jit3A_164 = arith.constant 0 : i32
    %broadcast_in_dim3A_165 = vector.broadcast %jit3A_164 : i32 to vector<2048x128xi32>
    %select_n3A_166 = arith.select %eq3A_163, %sub3A_161, %broadcast_in_dim3A_165 : vector<2048x128xi1>, vector<2048x128xi32>
    %reduce_sum3A_167 = arith.constant dense<0> : vector<2048xi32>
    %reduce_sum3A_168 = vector.multi_reduction <add>, %select_n3A_166, %reduce_sum3A_167 [1] : vector<2048x128xi32> to vector<2048xi32>
    %broadcast_in_dim3A_169 = vector.shape_cast %reduce_sum3A_168 : vector<2048xi32> to vector<2048x1xi32>
    %eq3A_170 = vector.broadcast %broadcast_in_dim3A_57 : vector<2048x1xi32> to vector<2048x128xi32>
    %eq3A_171 = arith.cmpi eq, %iota3A, %eq3A_170 : vector<2048x128xi32>
    %jit3A_172 = arith.constant 0 : i32
    %broadcast_in_dim3A_173 = vector.broadcast %jit3A_172 : i32 to vector<2048x128xi32>
    %select_n3A_174 = arith.select %eq3A_171, %sub3A_161, %broadcast_in_dim3A_173 : vector<2048x128xi1>, vector<2048x128xi32>
    %reduce_sum3A_175 = arith.constant dense<0> : vector<2048xi32>
    %reduce_sum3A_176 = vector.multi_reduction <add>, %select_n3A_174, %reduce_sum3A_175 [1] : vector<2048x128xi32> to vector<2048xi32>
    %broadcast_in_dim3A_177 = vector.shape_cast %reduce_sum3A_176 : vector<2048xi32> to vector<2048x1xi32>
    %lt3A_178 = arith.constant 512 : i32
    %lt3A_179 = vector.broadcast %lt3A_178 : i32 to vector<2048x1xi32>
    %lt3A_180 = arith.cmpi slt, %broadcast_in_dim3A_169, %lt3A_179 : vector<2048x1xi32>
    %convert_element_type3A_181 = arith.extui %lt3A_180 : vector<2048x1xi1> to vector<2048x1xi32>
    %lt3A_182 = arith.constant 512 : i32
    %lt3A_183 = vector.broadcast %lt3A_182 : i32 to vector<2048x1xi32>
    %lt3A_184 = arith.cmpi slt, %broadcast_in_dim3A_177, %lt3A_183 : vector<2048x1xi32>
    %convert_element_type3A_185 = arith.extui %lt3A_184 : vector<2048x1xi1> to vector<2048x1xi32>
    %mul3A_186 = arith.constant 512 : i32
    %mul3A_187 = vector.broadcast %mul3A_186 : i32 to vector<2048x1xi32>
    %mul3A_188 = arith.muli %broadcast_in_dim3A_41, %mul3A_187 : vector<2048x1xi32>
    %min3A = arith.constant 511 : i32
    %min3A_189 = vector.broadcast %min3A : i32 to vector<2048x1xi32>
    %min3A_190 = arith.minsi %broadcast_in_dim3A_169, %min3A_189 : vector<2048x1xi32>
    %add3A_191 = arith.addi %mul3A_188, %min3A_190 : vector<2048x1xi32>
    %swap3A_192 = arith.constant 0 : index
    %swap3A_193 = arith.constant 0 : index
    %swap3A_194 = vector.load %arg6[%swap3A_192, %swap3A_193] : memref<2048x1xi32, #tpu.memory_space<vmem>>, vector<2048x1xi32>
    tpu.vector_store %arg6[%swap3A_192, %swap3A_193], %add3A_191 {strides = array<i32>} : memref<2048x1xi32, #tpu.memory_space<vmem>>, vector<2048x1xi32>,
    %mul3A_195 = arith.constant 512 : i32
    %mul3A_196 = vector.broadcast %mul3A_195 : i32 to vector<2048x1xi32>
    %mul3A_197 = arith.muli %broadcast_in_dim3A_57, %mul3A_196 : vector<2048x1xi32>
    %min3A_198 = arith.constant 511 : i32
    %min3A_199 = vector.broadcast %min3A_198 : i32 to vector<2048x1xi32>
    %min3A_200 = arith.minsi %broadcast_in_dim3A_177, %min3A_199 : vector<2048x1xi32>
    %add3A_201 = arith.addi %mul3A_197, %min3A_200 : vector<2048x1xi32>
    %swap3A_202 = arith.constant 0 : index
    %swap3A_203 = arith.constant 0 : index
    %swap3A_204 = vector.load %arg7[%swap3A_202, %swap3A_203] : memref<2048x1xi32, #tpu.memory_space<vmem>>, vector<2048x1xi32>
    tpu.vector_store %arg7[%swap3A_202, %swap3A_203], %add3A_201 {strides = array<i32>} : memref<2048x1xi32, #tpu.memory_space<vmem>>, vector<2048x1xi32>,
    %swap3A_205 = arith.constant 0 : index
    %swap3A_206 = arith.constant 0 : index
    %swap3A_207 = vector.load %arg8[%swap3A_205, %swap3A_206] : memref<2048x1xi32, #tpu.memory_space<vmem>>, vector<2048x1xi32>
    tpu.vector_store %arg8[%swap3A_205, %swap3A_206], %convert_element_type3A_181 {strides = array<i32>} : memref<2048x1xi32, #tpu.memory_space<vmem>>, vector<2048x1xi32>,
    %swap3A_208 = arith.constant 0 : index
    %swap3A_209 = arith.constant 0 : index
    %swap3A_210 = vector.load %arg9[%swap3A_208, %swap3A_209] : memref<2048x1xi32, #tpu.memory_space<vmem>>, vector<2048x1xi32>
    tpu.vector_store %arg9[%swap3A_208, %swap3A_209], %convert_element_type3A_185 {strides = array<i32>} : memref<2048x1xi32, #tpu.memory_space<vmem>>, vector<2048x1xi32>,
    %broadcast_in_dim3A_211 = arith.constant 0.000000e+00 : f32
    %broadcast_in_dim3A_212 = vector.broadcast %broadcast_in_dim3A_211 : f32 to vector<2048x16xf32>
    %convert_element_type3A_213 = arith.sitofp %convert_element_type3A_181 : vector<2048x1xi32> to vector<2048x1xf32>
    %mul3A_214 = arith.mulf %div3A_63, %convert_element_type3A_213 : vector<2048x1xf32>
    %add3A_215 = vector.broadcast %mul3A_214 : vector<2048x1xf32> to vector<2048x16xf32>
    %add3A_216 = arith.addf %broadcast_in_dim3A_212, %add3A_215 : vector<2048x16xf32>
    %swap3A_217 = arith.constant 0 : index
    %swap3A_218 = arith.constant 0 : index
    %swap3A_219 = vector.load %arg10[%swap3A_217, %swap3A_218] : memref<2048x16xf32, #tpu.memory_space<vmem>>, vector<2048x16xf32>
    tpu.vector_store %arg10[%swap3A_217, %swap3A_218], %add3A_216 {strides = array<i32>} : memref<2048x16xf32, #tpu.memory_space<vmem>>, vector<2048x16xf32>,
    %convert_element_type3A_220 = arith.sitofp %convert_element_type3A_185 : vector<2048x1xi32> to vector<2048x1xf32>
    %mul3A_221 = arith.mulf %div3A_64, %convert_element_type3A_220 : vector<2048x1xf32>
    %add3A_222 = vector.broadcast %mul3A_221 : vector<2048x1xf32> to vector<2048x16xf32>
    %add3A_223 = arith.addf %broadcast_in_dim3A_212, %add3A_222 : vector<2048x16xf32>
    %swap3A_224 = arith.constant 0 : index
    %swap3A_225 = arith.constant 0 : index
    %swap3A_226 = vector.load %arg11[%swap3A_224, %swap3A_225] : memref<2048x16xf32, #tpu.memory_space<vmem>>, vector<2048x16xf32>
    tpu.vector_store %arg11[%swap3A_224, %swap3A_225], %add3A_223 {strides = array<i32>} : memref<2048x16xf32, #tpu.memory_space<vmem>>, vector<2048x16xf32>,
    return
  }
}

module attributes {stable_mosaic.version = 14 : i64} {
  func.func @_ffn_body(%arg0: i32, %arg1: i32, %arg2: memref<512x1024xf32, #tpu.memory_space<vmem>>, %arg3: memref<1x1024x512xf32, #tpu.memory_space<vmem>>, %arg4: memref<1x1024x512xf32, #tpu.memory_space<vmem>>, %arg5: memref<1x512x1024xf32, #tpu.memory_space<vmem>>, %arg6: memref<512x1024xf32, #tpu.memory_space<vmem>>) attributes {dimension_semantics = [#tpu.dimension_semantics<arbitrary>, #tpu.dimension_semantics<arbitrary>], iteration_bounds = array<i64: 8, 8>, scalar_prefetch = 0 : i64, scratch_operands = 0 : i64, tpu.core_type = #tpu.core_type<tc>, window_params = [{transform_indices = @transform_0, window_bounds = array<i64: 512, 1024>}, {transform_indices = @transform_1, window_bounds = array<i64: 1, 1024, 512>}, {transform_indices = @transform_2, window_bounds = array<i64: 1, 1024, 512>}, {transform_indices = @transform_3, window_bounds = array<i64: 1, 512, 1024>}, {transform_indices = @transform_4, window_bounds = array<i64: 512, 1024>}]} {
    %get3A = arith.constant 0 : index
    %get3A_0 = arith.constant 0 : index
    %get3A_1 = vector.load %arg2[%get3A, %get3A_0] : memref<512x1024xf32, #tpu.memory_space<vmem>>, vector<512x1024xf32>
    %get3A_2 = arith.constant 0 : index
    %get3A_3 = arith.constant 0 : index
    %get3A_4 = arith.constant 0 : index
    %get3A_5 = vector.load %arg3[%get3A_2, %get3A_3, %get3A_4] : memref<1x1024x512xf32, #tpu.memory_space<vmem>>, vector<1x1024x512xf32>
    %reshape3A = vector.shape_cast %get3A_5 : vector<1x1024x512xf32> to vector<1024x512xf32>
    %get3A_6 = arith.constant 0 : index
    %get3A_7 = arith.constant 0 : index
    %get3A_8 = arith.constant 0 : index
    %get3A_9 = vector.load %arg4[%get3A_6, %get3A_7, %get3A_8] : memref<1x1024x512xf32, #tpu.memory_space<vmem>>, vector<1x1024x512xf32>
    %reshape3A_10 = vector.shape_cast %get3A_9 : vector<1x1024x512xf32> to vector<1024x512xf32>
    %get3A_11 = arith.constant 0 : index
    %get3A_12 = arith.constant 0 : index
    %get3A_13 = arith.constant 0 : index
    %get3A_14 = vector.load %arg5[%get3A_11, %get3A_12, %get3A_13] : memref<1x512x1024xf32, #tpu.memory_space<vmem>>, vector<1x512x1024xf32>
    %reshape3A_15 = vector.shape_cast %get3A_14 : vector<1x512x1024xf32> to vector<512x1024xf32>
    %dot_general3A = arith.constant dense<0.000000e+00> : vector<512x512xf32>
    %dot_general3A_16 = tpu.matmul %get3A_1, %reshape3A, %dot_general3A {dimension_numbers = #tpu.dot_dimension_numbers<[1], [0], [0], [1], [0, 0, 1, 1], [], []>, transpose_lhs_hint = false} : vector<512x1024xf32>, vector<1024x512xf32>, vector<512x512xf32> -> vector<512x512xf32>
    %dot_general3A_17 = arith.constant dense<0.000000e+00> : vector<512x512xf32>
    %dot_general3A_18 = tpu.matmul %get3A_1, %reshape3A_10, %dot_general3A_17 {dimension_numbers = #tpu.dot_dimension_numbers<[1], [0], [0], [1], [0, 0, 1, 1], [], []>, transpose_lhs_hint = false} : vector<512x1024xf32>, vector<1024x512xf32>, vector<512x512xf32> -> vector<512x512xf32>
    %neg3A = arith.constant 0.000000e+00 : f32
    %neg3A_19 = vector.broadcast %neg3A : f32 to vector<512x512xf32>
    %neg3A_20 = arith.subf %neg3A_19, %dot_general3A_16 : vector<512x512xf32>
    %exp3A = math.exp %neg3A_20 : vector<512x512xf32>
    %add3A = arith.constant 1.000000e+00 : f32
    %add3A_21 = vector.broadcast %add3A : f32 to vector<512x512xf32>
    %add3A_22 = arith.addf %add3A_21, %exp3A : vector<512x512xf32>
    %div3A = arith.constant 1.000000e+00 : f32
    %div3A_23 = vector.broadcast %div3A : f32 to vector<512x512xf32>
    %div3A_24 = arith.divf %div3A_23, %add3A_22 : vector<512x512xf32>
    %mul3A = arith.mulf %dot_general3A_16, %div3A_24 : vector<512x512xf32>
    %mul3A_25 = arith.mulf %mul3A, %dot_general3A_18 : vector<512x512xf32>
    %dot_general3A_26 = arith.constant dense<0.000000e+00> : vector<512x1024xf32>
    %dot_general3A_27 = tpu.matmul %mul3A_25, %reshape3A_15, %dot_general3A_26 {dimension_numbers = #tpu.dot_dimension_numbers<[1], [0], [0], [1], [0, 0, 1, 1], [], []>, transpose_lhs_hint = false} : vector<512x512xf32>, vector<512x1024xf32>, vector<512x1024xf32> -> vector<512x1024xf32>
    %eq3A = arith.constant 0 : i32
    %eq3A_28 = arith.cmpi eq, %arg1, %eq3A : i32
    %convert_element_type3A = arith.extui %eq3A_28 : i1 to i32
    %cond3A = arith.constant 0 : i32
    %cond3A_29 = arith.cmpi ne, %convert_element_type3A, %cond3A : i32
    scf.if %cond3A_29 {
      %swap3A = arith.constant 0 : index
      %swap3A_34 = arith.constant 0 : index
      %swap3A_35 = vector.load %arg6[%swap3A, %swap3A_34] : memref<512x1024xf32, #tpu.memory_space<vmem>>, vector<512x1024xf32>
      tpu.vector_store %arg6[%swap3A, %swap3A_34], %dot_general3A_27 {strides = array<i32>} : memref<512x1024xf32, #tpu.memory_space<vmem>>, vector<512x1024xf32>,
    } else {
    }
    %gt3A = arith.constant 0 : i32
    %gt3A_30 = arith.cmpi sgt, %arg1, %gt3A : i32
    %convert_element_type3A_31 = arith.extui %gt3A_30 : i1 to i32
    %cond3A_32 = arith.constant 0 : i32
    %cond3A_33 = arith.cmpi ne, %convert_element_type3A_31, %cond3A_32 : i32
    scf.if %cond3A_33 {
      %get3A_34 = arith.constant 0 : index
      %get3A_35 = arith.constant 0 : index
      %get3A_36 = vector.load %arg6[%get3A_34, %get3A_35] : memref<512x1024xf32, #tpu.memory_space<vmem>>, vector<512x1024xf32>
      %add3A_37 = arith.addf %get3A_36, %dot_general3A_27 : vector<512x1024xf32>
      %swap3A = arith.constant 0 : index
      %swap3A_38 = arith.constant 0 : index
      %swap3A_39 = vector.load %arg6[%swap3A, %swap3A_38] : memref<512x1024xf32, #tpu.memory_space<vmem>>, vector<512x1024xf32>
      tpu.vector_store %arg6[%swap3A, %swap3A_38], %add3A_37 {strides = array<i32>} : memref<512x1024xf32, #tpu.memory_space<vmem>>, vector<512x1024xf32>,
    } else {
    }
    return
  }
  func.func @transform_0(%arg0: i32, %arg1: i32) -> (i32, i32) {
    %c0_i32 = arith.constant 0 : i32
    %c0_i32_0 = arith.constant 0 : i32
    return %arg0, %c0_i32 : i32, i32
  }
  func.func @transform_1(%arg0: i32, %arg1: i32) -> (i32, i32, i32) {
    %c0_i32 = arith.constant 0 : i32
    %c0_i32_0 = arith.constant 0 : i32
    return %arg0, %c0_i32, %arg1 : i32, i32, i32
  }
  func.func @transform_2(%arg0: i32, %arg1: i32) -> (i32, i32, i32) {
    %add3A = arith.constant 8 : i32
    %add3A_0 = arith.addi %arg1, %add3A : i32
    %c0_i32 = arith.constant 0 : i32
    %c0_i32_1 = arith.constant 0 : i32
    return %arg0, %c0_i32, %add3A_0 : i32, i32, i32
  }
  func.func @transform_3(%arg0: i32, %arg1: i32) -> (i32, i32, i32) {
    %c0_i32 = arith.constant 0 : i32
    %c0_i32_0 = arith.constant 0 : i32
    return %arg0, %arg1, %c0_i32 : i32, i32, i32
  }
  func.func @transform_4(%arg0: i32, %arg1: i32) -> (i32, i32) {
    %c0_i32 = arith.constant 0 : i32
    %c0_i32_0 = arith.constant 0 : i32
    return %arg0, %c0_i32 : i32, i32
  }
}

</mosaic_0001>

<sc_bundles>
// kernel: kernel.10.cloned.1.call-start
scs
__scs_entry_jumppad:
0x0: {  	(pc) =	sbr.rel $0x88, $3  }
0x1: {  	(tag) =	ssettag $0x0;
	lr =	simm.s32 $0x1  }
0x2: {  	[smem:$0x3F9A] =	sst lr;
	_ =	strace $0xD0000000  }
0x3: {  	_ = 	snop  }
0x4: {  	_ = 	snop  }
0x5: {  	_ = 	snop  }
0x6: {  	_ = 	snop  }
0x7: {  	_ = 	snop  }
__scs_overlays_trampoline_lowered:
0x8: {  	[smem:$0x3FA9] =	sst s0  }
0x9: {  	[smem:$0x3FAA] =	sst s1  }
0xa: {  	[smem:$0x3FAB] =	sst s2  }
0xb: {  	[smem:$0x3FAC] =	sst s3  }
0xc: {  	[smem:$0x3FAD] =	sst s4  }
0xd: {  	[smem:$0x3FAE] =	sst s5  }
0xe: {  	[smem:$0x3FAF] =	sst s6  }
0xf: {  	[smem:$0x3FB0] =	sst s7  }
0x10: {  	[smem:$0x3FB1] =	sst s8  }
0x11: {  	[smem:$0x3FB2] =	sst s9;
	s0 =	simm.s32 @!p0 $0x0  }
0x12: {  	s1 =	sld [smem:$0x3F98];
	s0 =	simm.s32 @p0 $0x1  }
0x13: {  	[smem:$0x3FB3] =	sst s0;
	s0 =	simm.s32 @!p1 $0x0  }
0x14: {  	s2 =	sld [smem:$0x3F97];
	s0 =	simm.s32 @p1 $0x1  }
0x15: {  	[smem:$0x3FB4] =	sst s0;
	s0 =	simm.s32 @!p2 $0x0  }
0x16: {  	s3 =	sld [smem:$0x3FDB];
	s0 =	simm.s32 @p2 $0x1  }
0x17: {  	s4 =	simm.s32 $0x1BF5;
	[smem:$0x3FB6] =	sst s0  }
0x18: {  	s0 =	sld [smem:$0x3F99];
	_ =	swait.ge [sflag:s4], $0x0  }
0x19: {  	s7 =	sld [smem:$0x3F9A]  }
0x1a: {  	s8 =	sadd.s32 $0xFFFFE003, lr  }
0x1b: {  	s9 =	sadd.s32 $0xFFFFFEF7, lr;
	s5 =	simm.s32 $0xFFFFFFFF;
	p2 =	slt.u32 s8, $0xFFFFF086  }
0x1c: {  	p1 =	slt.u32 s9, $0xF7A;
	s5 =	simm.s32 @!p2 $0x0  }
0x1d: {  	s5 =	simm.s32 @p1 $0x1;
	p0 =	seq.s32 s7, s2  }
0x1e: {  	s7 =	smul.u32 @!p0 $0xF7A, s2;
	p2 =	seq.s32 @!p0 s5, $0x0  }
0x1f: {  	s9 =	smul.u32 $0xF7A, s1;
	s8 =	simm.s32 @!p0 $0x1BF5;
	p2 =	por !p2, p0  }
0x20: {  	[sflag:s8] =	ssyncset.s32 @!p0 $0xFFFFF086;
	s6 =	sadd.s32 @!p0 s3, s7;
	s7 =	simm.s32 @!p0 $0x108  }
0x21: {  	s3 =	sadd.s32 s3, s9;
	s6 =	sadd.s32 @!p0 $0x88, s6;
	s7 =	simm.s32 @p2 $0x1082  }
0x22: {  	[simem:s7], [sflag:s8] =	dma.local @!p0 [hbm:s6], $0xF7A  }
0x23: {  	s9 =	sor.u32 $0xD0000000, s2;
	s6 =	simm.s32 $0x108;
	_ =	swait.ge @!p0 [sflag:s8], $0x0  }
0x24: {  	s3 =	sadd.s32 $0x88, s3;
	s6 =	simm.s32 @!p1 $0x1082;
	[sflag:s4] =	ssyncset.s32 $0xFFFFF086  }
0x25: {  	[simem:s6], [sflag:s4] =	dma.local [hbm:s3], $0xF7A  }
0x26: {  	[smem:$0x3F9A] =	sst s1;
	(tag) =	ssettag s2;
	_ =	strace s9  }
0x27: {  	s1 =	sld [smem:$0x3FAA]  }
0x28: {  	s2 =	sld [smem:$0x3FAB]  }
0x29: {  	s4 =	sld [smem:$0x3FAD]  }
0x2a: {  	p0 =	seq.s32 s5, $0x0;
	s5 =	sld [smem:$0x3FAE]  }
0x2b: {  	s6 =	sld [smem:$0x3FAF]  }
0x2c: {  	s7 =	sld [smem:$0x3FB0]  }
0x2d: {  	s3 =	simm.s32 $0x108;
	s8 =	sld [smem:$0x3FB1]  }
0x2e: {  	s3 =	simm.s32 @!p0 $0x1082;
	s9 =	sld [smem:$0x3FB2]  }
0x2f: {  	lr =	sadd.s32 s0, s3;
	s0 =	sld [smem:$0x3FA9]  }
0x30: {  	s3 =	sld [smem:$0x3FAC]  }
0x31: {  	[smem:$0x3FB5] =	sst s10  }
0x32: {  	s10 =	sld [smem:$0x3FB3];
	_ =	sdelay $0x3  }
0x33: {  	p0 =	seq.s32 s10, $0x1;
	s10 =	sld [smem:$0x3FB5];
	_ =	sdelay $0x3  }
0x34: {  	[smem:$0x3FB5] =	sst s10  }
0x35: {  	s10 =	sld [smem:$0x3FB4];
	_ =	sdelay $0x3  }
0x36: {  	p1 =	seq.s32 s10, $0x1;
	s10 =	sld [smem:$0x3FB5];
	_ =	sdelay $0x3  }
0x37: {  	[smem:$0x3FB5] =	sst s10  }
0x38: {  	s10 =	sld [smem:$0x3FB6]  }
0x39: {  	_ = 	snop;
	(pc) =	sbr.ind lr, $3  }
0x3a: {  	_ = 	snop  }
0x3b: {  	_ = 	snop  }
0x3c: {  	p2 =	seq.s32 s10, $0x1;
	s10 =	sld [smem:$0x3FB5]  }
0x3d: {  	_ =	shalt  }
0x3e: {  	_ =	shalt  }
0x3f: {  	_ =	shalt  }
0x40: {  	_ =	shalt  }
0x41: {  	_ =	shalt  }
0x42: {  	_ =	shalt  }
0x43: {  	_ =	shalt  }
0x44: {  	_ =	shalt  }
0x45: {  	_ =	shalt  }
0x46: {  	_ =	shalt  }
0x47: {  	_ =	shalt  }
0x48: {  	_ =	shalt  }
0x49: {  	_ =	shalt  }
0x4a: {  	_ =	shalt  }
0x4b: {  	_ =	shalt  }
0x4c: {  	_ =	shalt  }
0x4d: {  	_ =	shalt  }
0x4e: {  	_ =	shalt  }
0x4f: {  	_ =	shalt  }
0x50: {  	_ =	shalt  }
0x51: {  	_ =	shalt  }
0x52: {  	_ =	shalt  }
0x53: {  	_ =	shalt  }
0x54: {  	_ =	shalt  }
0x55: {  	_ =	shalt  }
0x56: {  	_ =	shalt  }
0x57: {  	_ =	shalt  }
0x58: {  	_ =	shalt  }
0x59: {  	_ =	shalt  }
0x5a: {  	_ =	shalt  }
0x5b: {  	_ =	shalt  }
0x5c: {  	_ =	shalt  }
0x5d: {  	_ =	shalt  }
0x5e: {  	_ =	shalt  }
0x5f: {  	_ =	shalt  }
0x60: {  	_ =	shalt  }
0x61: {  	_ =	shalt  }
0x62: {  	_ =	shalt  }
0x63: {  	_ =	shalt  }
0x64: {  	_ =	shalt  }
0x65: {  	_ =	shalt  }
0x66: {  	_ =	shalt  }
0x67: {  	_ =	shalt  }
0x68: {  	_ =	shalt  }
0x69: {  	_ =	shalt  }
0x6a: {  	_ =	shalt  }
0x6b: {  	_ =	shalt  }
0x6c: {  	_ =	shalt  }
0x6d: {  	_ =	shalt  }
0x6e: {  	_ =	shalt  }
0x6f: {  	_ =	shalt  }
0x70: {  	_ =	shalt  }
0x71: {  	_ =	shalt  }
0x72: {  	_ =	shalt  }
0x73: {  	_ =	shalt  }
0x74: {  	_ =	shalt  }
0x75: {  	_ =	shalt  }
0x76: {  	_ =	shalt  }
0x77: {  	_ =	shalt  }
0x78: {  	_ =	shalt  }
0x79: {  	_ =	shalt  }
0x7a: {  	_ =	shalt  }
0x7b: {  	_ =	shalt  }
0x7c: {  	_ =	shalt  }
0x7d: {  	_ =	shalt  }
0x7e: {  	_ =	shalt  }
0x7f: {  	_ =	shalt  }
0x80: {  	_ =	shalt  }
0x81: {  	_ =	shalt  }
0x82: {  	_ =	shalt  }
0x83: {  	_ =	shalt  }
0x84: {  	_ =	shalt  }
0x85: {  	_ =	shalt  }
0x86: {  	_ =	shalt  }
0x87: {  	_ =	shalt  }
.Lfunc_end0:
.L_simem_size_0:
called_computation.1_lowered:
.L_overlay_start_0:
0x88: {  	s2 =	sld [smem:$0x3FD9]  }
0x89: {  	s3 =	sld [smem:$0x3FFE];
	_ =	sdelay $0x1  }
0x8a: {  	s1 =	srdreg.scid  }
0x8b: {  	s0 =	sand.u32 $0x1, s1  }
0x8c: {  	s14 =	sshll.u32 s0, $0xA;
	s2 =	sadd.s32 s3, s2  }
0x8d: {  	s2 =	sadd.s32 s2, s14  }
0x8e: {  	[smem:$0x3FC1] =	sst s2  }
0x8f: {  	_ = 	snop  }
0x90: {  	s2 =	sld [smem:$0x3FD0];
	_ =	sdelay $0x2  }
0x91: {  	s4 =	simm.s32 $0xA;
	s5 =	simm.s32 $0x10;
	s15 =	sld [smem:$0x3FC9]  }
0x92: {  	[smem:s5], [sflag:s4] =	dma.local [hbm:s2], $0x1  }
0x93: {  	_ =	swait.eq [sflag:s4], $0x1  }
0x94: {  	[sflag:s4] =	ssyncset.done $0x0  }
0x95: {  	[sflag:s4] =	ssyncadd.s32 $0xFFFFFFFF  }
0x96: {  	s16 =	sld [smem:$0x10];
	(tm) =	ssettm $0x1  }
0x97: {  	s17 =	sld [smem:$0x3FFB];
	_ =	sdelay $0x3  }
0x98: {  	_ =	strace s17  }
0x99: {  	s4 =	sld [smem:$0x3FFC];
	_ =	sdelay $0x3  }
0x9a: {  	_ =	strace s4  }
0x9b: {  	s4 =	sld [smem:$0x3FFD];
	_ =	sdelay $0x3  }
0x9c: {  	_ =	strace s4  }
0x9d: {  	_ =	strace $0x8FFFFFFF  }
0x9e: {  	s18 =	sld [smem:$0x3FDB];
	_ =	sdelay $0x1  }
0x9f: {  	s19 =	simm.s32 $_scs_section_size  }
0xa0: {  	s6 =	simm.s32 $_size__tile_overlayer_lowered;
	s7 =	simm.s32 $_tile_overlayer_lowered  }
0xa1: {  	s22 =	simm.s32 $0x1BFF;
	s21 =	sshll.u32 s7, $0x1;
	s4 =	sadd.s32 s19, s18  }
0xa2: {  	s8 =	simm.s32 $0x0;
	s20 =	sshll.u32 s6, $0x1;
	s6 =	sadd.s32 s21, s4  }
0xa3: {  	[timem:s8], [sflag:s22] =	dma.local [hbm:s6], s20  }
0xa4: {  	_ =	swait.ge [sflag:s22], s20  }
0xa5: {  	s5 =	ssub.s32 $0x0, s20;
	[sflag:s22] =	ssyncset.done $0x0  }
0xa6: {  	[sflag:s22] =	ssyncadd.s32 s5;
	_ =	sdelay $0x1  }
0xa7: {  	s23 =	simm.s32 $0x1B8B  }
0xa8: {  	_ =	swait.ge [sflag:s23], $0x1  }
0xa9: {  	[sflag:s23] =	ssyncset.done $0x0  }
0xaa: {  	s25 =	simm.s32 $0x1B8E;
	s24 =	sld [smem:$0x3FFE];
	[sflag:s23] =	ssyncadd.s32 $0xFFFFFFFF  }
0xab: {  	s26 =	simm.s32 $execute0_lowered;
	[smem:$0x3FD2] =	sst s25  }
0xac: {  	s6 =	sshll.u32 s26, $0x1;
	_ =	strace $0x80000049;
	[dreg:$0x1] =	wrdreg $0xFFFFFFFF  }
0xad: {  	s28 =	simm.s32 $_size_execute0_lowered;
	s4 =	sadd.s32 s4, s6;
	[dreg:$0x0] =	wrdreg $0x0  }
0xae: {  	s6 =	sshll.u32 s28, $0x1;
	[dreg:$0x2] =	wrdreg s4  }
0xaf: {  	[dreg:$0x3] =	wrdreg s6  }
0xb0: {  	[dreg:$0x4] =	wrdreg $0xC0  }
0xb1: {  	_ =	task [dreg:s8], $0x5FFFF  }
0xb2: {  	[dreg:$0x1] =	wrdreg $0xFFFFFFFF  }
0xb3: {  	[dreg:$0x0] =	wrdreg $0x60  }
0xb4: {  	[dreg:$0x2] =	wrdreg s15  }
0xb5: {  	[dreg:$0x3] =	wrdreg s16  }
0xb6: {  	[dreg:$0x4] =	wrdreg s24  }
0xb7: {  	[dreg:$0x5] =	wrdreg $0x9  }
0xb8: {  	_ =	task.clear_ibuf [dreg:s8], $0x6FFFF;
	_ =	strace $0x90000049  }
0xb9: {  	s29 =	simm.s32 $0x9;
	_ =	strace $0x8000004B  }
0xba: {  	_ =	swait.ge [sflag:s29], $0x1  }
0xbb: {  	[sflag:s29] =	ssyncadd.s32 $0xFFFFFFFF  }
0xbc: {  	_ =	strace $0x9000004B  }
0xbd: {  	_ =	sfence  }
0xbe: {  	s30 =	sld [smem:$0x0];
	_ =	sdelay $0x2  }
0xbf: {  	s31 =	sshll.u32 s1, $0xD;
	s1 =	sshrl.u32 s1, $0x2  }
0xc0: {  	s3 =	sand.u32 $0x4000, s31;
	s1 =	sadd.s32 s1, s30  }
0xc1: {  	s0 =	sor.u32 s3, s0;
	s1 =	sshll.u32 s1, $0x11  }
0xc2: {  	s0 =	sor.u32 s1, s0  }
0xc3: {  	s0 =	sadd.s32 $0x8F2B, s0  }
0xc4: {  	[sflag:s0] =	ssyncadd.remote.s32 $0x1  }
0xc5: {  	_ =	sfence.sel $0xFFFF  }
0xc6: {  	[dreg:$0x0] =	wrdreg $0xFFFFFFFF;
	(pc) =	sbr.abs _section_cstart, $3  }
0xc7: {  	[dreg:$0x1] =	wrdreg $0xFFFFFFFF  }
0xc8: {  	_ =	task.clear_ibuf [dreg:s8], $0x2FFFF;
	_ =	strace $0x9FFFFFFF  }
0xc9: {  	(tm) =	ssettm $0x7FFFFFFF  }
tec
execute0_lowered:
.L_overlay_start_1:
0x0: {  	(tag) =	ssettag $0x1  }
0x1: {  	s1 =	rddreg [dreg:$0x0];
	s0 =	srdreg.scid  }
0x2: {  	s2 =	rddreg [dreg:$0x1];
	s3 =	stileid.u32  }
0x3: {  	s4 =	rddreg [dreg:$0x2];
	s18 =	simm.s32 $0x1;
	s20 =	simm.s32 $0x880  }
0x4: {  	s21 =	simm.s32 $0x1080;
	s22 =	simm.s32 $0x1880;
	s23 =	simm.s32 $0x2080  }
0x5: {  	s28 =	simm.s32 $0x4080;
	s29 =	simm.s32 $0x4880;
	s30 =	simm.s32 $0x5080  }
0x6: {  	s31 =	simm.s32 $0x5880;
	s10 =	simm.s32 $0x7080;
	s11 =	simm.s32 $0x7880  }
0x7: {  	s12 =	simm.s32 $0x8080;
	s13 =	simm.s32 $0x8880;
	s14 =	simm.s32 $0x9080  }
0x8: {  	s15 =	simm.s32 $0x9880;
	s16 =	simm.s32 $0xA080;
	s17 =	simm.s32 $0xA880  }
0x9: {  	s0 =	sand.u32 $0x1, s0;
	s5 =	sshll.u32 s3, $0x8;
	s3 =	simm.s32 $0x0  }
0xa: {  	s8 =	sadd.s32 $0x400, s4;
	s4 =	sadd.s32 $0x100, s1;
	s6 =	sshll.u32 s0, $0x7  }
0xb: {  	[smem:$0x7FF] =	sst s3;
	s0 =	ssub.s32 $0x2, s0;
	s5 =	sor.u32 s6, s5  }
0xc: {  	_ =	strace $0x8000004A;
	s7 =	sshrl.u32 s0, $0x1;
	s6 =	sshrl.u32 s5, $0x3  }
0xd: {  	s0 =	ssub.s32 s0, s7;
	s24 =	sshll.u32 s5, $0x7;
	s25 =	sor.u32 $0x40, s5  }
0xe: {  	s5 =	sadd.s32 $0x200, s1;
	s6 =	sadd.s32 s2, s6;
	s9 =	sshrl.u32 s25, $0x3  }
0xf: {  	s7 =	sshll.u32 s25, $0x7;
	s25 =	simm.s32 $0x3080;
	[dreg:$0x4] =	wrdreg s6  }
0x10: {  	s6 =	sadd.s32 s8, s24;
	s2 =	sadd.s32 s2, s9;
	s26 =	sadd.s32 s8, s7  }
0x11: {  	v2 =	vlaneseq.u32;
	s7 =	smax.u32 s0, $0x1;
	s8 =	simm.s32 $0x2;
	[dreg:$0x5] =	wrdreg s6  }
0x12: {  	vm0 =	vmmov $0xffff;
	v1 =	vshrl.u32 v2, $0x3;
	s0 =	simm.s32 $0x80;
	s24 =	simm.s32 $0x2880;
	[dreg:$0x6] =	wrdreg s2  }
0x13: {  	v0 =	vand.u32 $0x7, v2;
	v2 =	vor.u32 $0x8, v2;
	v1 =	vmul.u32 $0x8, v1;
	s6 =	sadd.s32 $0x300, s1;
	[dreg:$0x7] =	wrdreg s26;
	s26 =	simm.s32 $0x3880  }
.LBB2_1:
0x14: {  	s19 =	rddreg [dreg:$0x4]  }
0x15: {  	[tilespmem:s3], [sflag:$0x2] =	stream.linear.gather [hbm4b:s19+s3], $0x40, $0x38;
	[tilespmem:$0x10080] =	vst v63  }
0x16: {  	_ =	swait.ge [sflag:s8], $0x40  }
0x17: {  	[sflag:s8] =	ssyncset.done $0x0  }
0x18: {  	[sflag:s8] =	ssyncadd.s32 $0xFFFFFFC0  }
0x19: {  	v3 =	vld [tilespmem:$0x0];
	_ =	sdelay $0x4  }
0x1a: {  	v4 =	vshll.u32 v3, $0x3  }
0x1b: {  	v3 =	vand.u32 $0x7, v3;
	v4 =	vand.u32 $0xFFFFFFC0, v4  }
0x1c: {  	v3 =	vor.u32 v3, v4  }
0x1d: {  	v4 =	vperm.xlane v3, v0;
	_ =	sdelay $0x1  }
0x1e: {  	v4 =	vadd.s32 v1, v4;
	_ =	sdelay $0x4  }
0x1f: {  	[tilespmem:s0], [sflag:$0x1] =	stream.indirect_vreg.gather [hbm4b:s1+s3], $0x80, v4, vm0, $0xb8;
	[tilespmem:$0x10080] =	vst v63  }
0x20: {  	v3 =	vperm.xlane v3, v2  }
0x21: {  	[tilespmem:s20], [sflag:$0x1] =	stream.indirect_vreg.gather [hbm4b:s4+s3], $0x80, v4, vm0, $0xb8;
	[tilespmem:$0x10080] =	vst v63  }
0x22: {  	v3 =	vadd.s32 v1, v3  }
0x23: {  	[tilespmem:s21], [sflag:$0x1] =	stream.indirect_vreg.gather [hbm4b:s5+s3], $0x80, v4, vm0, $0xb8;
	[tilespmem:$0x10080] =	vst v63  }
0x24: {  	_ = 	snop  }
0x25: {  	[tilespmem:s22], [sflag:$0x1] =	stream.indirect_vreg.gather [hbm4b:s6+s3], $0x80, v4, vm0, $0xb8;
	[tilespmem:$0x10080] =	vst v63  }
0x26: {  	_ = 	snop  }
0x27: {  	[tilespmem:s23], [sflag:$0x1] =	stream.indirect_vreg.gather [hbm4b:s1+s3], $0x80, v3, vm0, $0xb8;
	[tilespmem:$0x10080] =	vst v63  }
0x28: {  	_ = 	snop  }
0x29: {  	[tilespmem:s24], [sflag:$0x1] =	stream.indirect_vreg.gather [hbm4b:s4+s3], $0x80, v3, vm0, $0xb8;
	[tilespmem:$0x10080] =	vst v63  }
0x2a: {  	_ = 	snop  }
0x2b: {  	[tilespmem:s25], [sflag:$0x1] =	stream.indirect_vreg.gather [hbm4b:s5+s3], $0x80, v3, vm0, $0xb8;
	[tilespmem:$0x10080] =	vst v63  }
0x2c: {  	_ = 	snop  }
0x2d: {  	[tilespmem:s26], [sflag:$0x1] =	stream.indirect_vreg.gather [hbm4b:s6+s3], $0x80, v3, vm0, $0xb8;
	[tilespmem:$0x10080] =	vst v63  }
0x2e: {  	v3 =	vld [tilespmem:$0x10];
	_ =	sdelay $0x4  }
0x2f: {  	v57 =	vshll.u32 v3, $0x3  }
0x30: {  	v3 =	vand.u32 $0x7, v3;
	v4 =	vand.u32 $0xFFFFFFC0, v57  }
0x31: {  	v3 =	vor.u32 v3, v4  }
0x32: {  	v4 =	vperm.xlane v3, v0;
	_ =	sdelay $0x1  }
0x33: {  	v4 =	vadd.s32 v1, v4;
	_ =	sdelay $0x4  }
0x34: {  	[tilespmem:s28], [sflag:$0x1] =	stream.indirect_vreg.gather [hbm4b:s1+s3], $0x80, v4, vm0, $0xb8;
	[tilespmem:$0x10080] =	vst v63  }
0x35: {  	v3 =	vperm.xlane v3, v2  }
0x36: {  	[tilespmem:s29], [sflag:$0x1] =	stream.indirect_vreg.gather [hbm4b:s4+s3], $0x80, v4, vm0, $0xb8;
	[tilespmem:$0x10080] =	vst v63  }
0x37: {  	v3 =	vadd.s32 v1, v3  }
0x38: {  	[tilespmem:s30], [sflag:$0x1] =	stream.indirect_vreg.gather [hbm4b:s5+s3], $0x80, v4, vm0, $0xb8;
	[tilespmem:$0x10080] =	vst v63  }
0x39: {  	_ = 	snop  }
0x3a: {  	[tilespmem:s31], [sflag:$0x1] =	stream.indirect_vreg.gather [hbm4b:s6+s3], $0x80, v4, vm0, $0xb8;
	[tilespmem:$0x10080] =	vst v63  }
0x3b: {  	s2 =	simm.s32 $0x6080  }
0x3c: {  	[tilespmem:s2], [sflag:$0x1] =	stream.indirect_vreg.gather [hbm4b:s1+s3], $0x80, v3, vm0, $0xb8;
	[tilespmem:$0x10080] =	vst v63  }
0x3d: {  	s9 =	simm.s32 $0x6880  }
0x3e: {  	[tilespmem:s9], [sflag:$0x1] =	stream.indirect_vreg.gather [hbm4b:s4+s3], $0x80, v3, vm0, $0xb8;
	[tilespmem:$0x10080] =	vst v63  }
0x3f: {  	_ = 	snop  }
0x40: {  	[tilespmem:s10], [sflag:$0x1] =	stream.indirect_vreg.gather [hbm4b:s5+s3], $0x80, v3, vm0, $0xb8;
	[tilespmem:$0x10080] =	vst v63  }
0x41: {  	_ = 	snop  }
0x42: {  	[tilespmem:s11], [sflag:$0x1] =	stream.indirect_vreg.gather [hbm4b:s6+s3], $0x80, v3, vm0, $0xb8;
	[tilespmem:$0x10080] =	vst v63  }
0x43: {  	v3 =	vld [tilespmem:$0x20];
	_ =	sdelay $0x4  }
0x44: {  	v58 =	vshll.u32 v3, $0x3  }
0x45: {  	v3 =	vand.u32 $0x7, v3;
	v4 =	vand.u32 $0xFFFFFFC0, v58  }
0x46: {  	v3 =	vor.u32 v3, v4  }
0x47: {  	v4 =	vperm.xlane v3, v0;
	_ =	sdelay $0x1  }
0x48: {  	v4 =	vadd.s32 v1, v4;
	_ =	sdelay $0x4  }
0x49: {  	[tilespmem:s12], [sflag:$0x1] =	stream.indirect_vreg.gather [hbm4b:s1+s3], $0x80, v4, vm0, $0xb8;
	[tilespmem:$0x10080] =	vst v63  }
0x4a: {  	v3 =	vperm.xlane v3, v2  }
0x4b: {  	[tilespmem:s13], [sflag:$0x1] =	stream.indirect_vreg.gather [hbm4b:s4+s3], $0x80, v4, vm0, $0xb8;
	[tilespmem:$0x10080] =	vst v63  }
0x4c: {  	v3 =	vadd.s32 v1, v3  }
0x4d: {  	[tilespmem:s14], [sflag:$0x1] =	stream.indirect_vreg.gather [hbm4b:s5+s3], $0x80, v4, vm0, $0xb8;
	[tilespmem:$0x10080] =	vst v63  }
0x4e: {  	_ = 	snop  }
0x4f: {  	[tilespmem:s15], [sflag:$0x1] =	stream.indirect_vreg.gather [hbm4b:s6+s3], $0x80, v4, vm0, $0xb8;
	[tilespmem:$0x10080] =	vst v63  }
0x50: {  	_ = 	snop  }
0x51: {  	[tilespmem:s16], [sflag:$0x1] =	stream.indirect_vreg.gather [hbm4b:s1+s3], $0x80, v3, vm0, $0xb8;
	[tilespmem:$0x10080] =	vst v63  }
0x52: {  	_ = 	snop  }
0x53: {  	[tilespmem:s17], [sflag:$0x1] =	stream.indirect_vreg.gather [hbm4b:s4+s3], $0x80, v3, vm0, $0xb8;
	[tilespmem:$0x10080] =	vst v63  }
0x54: {  	s9 =	simm.s32 $0xB080  }
0x55: {  	[tilespmem:s9], [sflag:$0x1] =	stream.indirect_vreg.gather [hbm4b:s5+s3], $0x80, v3, vm0, $0xb8;
	[tilespmem:$0x10080] =	vst v63  }
0x56: {  	s19 =	simm.s32 $0xB880  }
0x57: {  	[tilespmem:s19], [sflag:$0x1] =	stream.indirect_vreg.gather [hbm4b:s6+s3], $0x80, v3, vm0, $0xb8;
	[tilespmem:$0x10080] =	vst v63  }
0x58: {  	v3 =	vld [tilespmem:$0x30];
	_ =	sdelay $0x4  }
0x59: {  	v59 =	vshll.u32 v3, $0x3  }
0x5a: {  	v3 =	vand.u32 $0x7, v3;
	v4 =	vand.u32 $0xFFFFFFC0, v59  }
0x5b: {  	v3 =	vor.u32 v3, v4  }
0x5c: {  	v4 =	vperm.xlane v3, v0;
	_ =	sdelay $0x1  }
0x5d: {  	v4 =	vadd.s32 v1, v4;
	_ =	sdelay $0x3  }
0x5e: {  	s19 =	simm.s32 $0xC080  }
0x5f: {  	[tilespmem:s19], [sflag:$0x1] =	stream.indirect_vreg.gather [hbm4b:s1+s3], $0x80, v4, vm0, $0xb8;
	[tilespmem:$0x10080] =	vst v63  }
0x60: {  	v3 =	vperm.xlane v3, v2;
	s19 =	simm.s32 $0xC880  }
0x61: {  	[tilespmem:s19], [sflag:$0x1] =	stream.indirect_vreg.gather [hbm4b:s4+s3], $0x80, v4, vm0, $0xb8;
	[tilespmem:$0x10080] =	vst v63  }
0x62: {  	v3 =	vadd.s32 v1, v3;
	s19 =	simm.s32 $0xD080  }
0x63: {  	[tilespmem:s19], [sflag:$0x1] =	stream.indirect_vreg.gather [hbm4b:s5+s3], $0x80, v4, vm0, $0xb8;
	[tilespmem:$0x10080] =	vst v63  }
0x64: {  	s19 =	simm.s32 $0xD880  }
0x65: {  	[tilespmem:s19], [sflag:$0x1] =	stream.indirect_vreg.gather [hbm4b:s6+s3], $0x80, v4, vm0, $0xb8;
	[tilespmem:$0x10080] =	vst v63  }
0x66: {  	s19 =	simm.s32 $0xE080  }
0x67: {  	[tilespmem:s19], [sflag:$0x1] =	stream.indirect_vreg.gather [hbm4b:s1+s3], $0x80, v3, vm0, $0xb8;
	[tilespmem:$0x10080] =	vst v63  }
0x68: {  	s19 =	simm.s32 $0xE880  }
0x69: {  	[tilespmem:s19], [sflag:$0x1] =	stream.indirect_vreg.gather [hbm4b:s4+s3], $0x80, v3, vm0, $0xb8;
	[tilespmem:$0x10080] =	vst v63  }
0x6a: {  	s19 =	simm.s32 $0xF080  }
0x6b: {  	[tilespmem:s19], [sflag:$0x1] =	stream.indirect_vreg.gather [hbm4b:s5+s3], $0x80, v3, vm0, $0xb8;
	[tilespmem:$0x10080] =	vst v63  }
0x6c: {  	s19 =	simm.s32 $0xF880  }
0x6d: {  	[tilespmem:s19], [sflag:$0x1] =	stream.indirect_vreg.gather [hbm4b:s6+s3], $0x80, v3, vm0, $0xb8;
	[tilespmem:$0x10080] =	vst v63  }
0x6e: {  	_ =	swait.ge [sflag:s18], $0x10000  }
0x6f: {  	[sflag:s18] =	ssyncset.done $0x0  }
0x70: {  	s19 =	rddreg [dreg:$0x5];
	[sflag:s18] =	ssyncadd.s32 $0xFFFF0000  }
0x71: {  	[hbm4b:s19+s3] =	stream.linear.scatter [tilespmem:s0], [sflag:$0x2], $0x10000, $0x38;
	[tilespmem:$0x10080] =	vst v63  }
0x72: {  	_ =	swait.ge [sflag:s8], $0x10000  }
0x73: {  	[sflag:s8] =	ssyncset.done $0x0  }
0x74: {  	s19 =	rddreg [dreg:$0x6];
	[sflag:s8] =	ssyncadd.s32 $0xFFFF0000  }
0x75: {  	[tilespmem:s3], [sflag:$0x2] =	stream.linear.gather [hbm4b:s19+s3], $0x40, $0x38;
	[tilespmem:$0x10080] =	vst v63  }
0x76: {  	_ =	swait.ge [sflag:s8], $0x40  }
0x77: {  	[sflag:s8] =	ssyncset.done $0x0  }
0x78: {  	[sflag:s8] =	ssyncadd.s32 $0xFFFFFFC0  }
0x79: {  	v3 =	vld [tilespmem:$0x0];
	_ =	sdelay $0x4  }
0x7a: {  	v60 =	vshll.u32 v3, $0x3  }
0x7b: {  	v3 =	vand.u32 $0x7, v3;
	v4 =	vand.u32 $0xFFFFFFC0, v60  }
0x7c: {  	v3 =	vor.u32 v3, v4  }
0x7d: {  	v4 =	vperm.xlane v3, v0;
	_ =	sdelay $0x1  }
0x7e: {  	v4 =	vadd.s32 v1, v4;
	_ =	sdelay $0x4  }
0x7f: {  	[tilespmem:s0], [sflag:$0x1] =	stream.indirect_vreg.gather [hbm4b:s1+s3], $0x80, v4, vm0, $0xb8;
	[tilespmem:$0x10080] =	vst v63  }
0x80: {  	v3 =	vperm.xlane v3, v2  }
0x81: {  	[tilespmem:s20], [sflag:$0x1] =	stream.indirect_vreg.gather [hbm4b:s4+s3], $0x80, v4, vm0, $0xb8;
	[tilespmem:$0x10080] =	vst v63  }
0x82: {  	v3 =	vadd.s32 v1, v3  }
0x83: {  	[tilespmem:s21], [sflag:$0x1] =	stream.indirect_vreg.gather [hbm4b:s5+s3], $0x80, v4, vm0, $0xb8;
	[tilespmem:$0x10080] =	vst v63  }
0x84: {  	_ = 	snop  }
0x85: {  	[tilespmem:s22], [sflag:$0x1] =	stream.indirect_vreg.gather [hbm4b:s6+s3], $0x80, v4, vm0, $0xb8;
	[tilespmem:$0x10080] =	vst v63  }
0x86: {  	_ = 	snop  }
0x87: {  	[tilespmem:s23], [sflag:$0x1] =	stream.indirect_vreg.gather [hbm4b:s1+s3], $0x80, v3, vm0, $0xb8;
	[tilespmem:$0x10080] =	vst v63  }
0x88: {  	_ = 	snop  }
0x89: {  	[tilespmem:s24], [sflag:$0x1] =	stream.indirect_vreg.gather [hbm4b:s4+s3], $0x80, v3, vm0, $0xb8;
	[tilespmem:$0x10080] =	vst v63  }
0x8a: {  	_ = 	snop  }
0x8b: {  	[tilespmem:s25], [sflag:$0x1] =	stream.indirect_vreg.gather [hbm4b:s5+s3], $0x80, v3, vm0, $0xb8;
	[tilespmem:$0x10080] =	vst v63  }
0x8c: {  	_ = 	snop  }
0x8d: {  	[tilespmem:s26], [sflag:$0x1] =	stream.indirect_vreg.gather [hbm4b:s6+s3], $0x80, v3, vm0, $0xb8;
	[tilespmem:$0x10080] =	vst v63  }
0x8e: {  	v3 =	vld [tilespmem:$0x10];
	_ =	sdelay $0x4  }
0x8f: {  	v61 =	vshll.u32 v3, $0x3  }
0x90: {  	v3 =	vand.u32 $0x7, v3;
	v4 =	vand.u32 $0xFFFFFFC0, v61  }
0x91: {  	v3 =	vor.u32 v3, v4  }
0x92: {  	v4 =	vperm.xlane v3, v0;
	_ =	sdelay $0x1  }
0x93: {  	v4 =	vadd.s32 v1, v4;
	_ =	sdelay $0x4  }
0x94: {  	[tilespmem:s28], [sflag:$0x1] =	stream.indirect_vreg.gather [hbm4b:s1+s3], $0x80, v4, vm0, $0xb8;
	[tilespmem:$0x10080] =	vst v63  }
0x95: {  	v3 =	vperm.xlane v3, v2  }
0x96: {  	[tilespmem:s29], [sflag:$0x1] =	stream.indirect_vreg.gather [hbm4b:s4+s3], $0x80, v4, vm0, $0xb8;
	[tilespmem:$0x10080] =	vst v63  }
0x97: {  	v3 =	vadd.s32 v1, v3  }
0x98: {  	[tilespmem:s30], [sflag:$0x1] =	stream.indirect_vreg.gather [hbm4b:s5+s3], $0x80, v4, vm0, $0xb8;
	[tilespmem:$0x10080] =	vst v63  }
0x99: {  	_ = 	snop  }
0x9a: {  	[tilespmem:s31], [sflag:$0x1] =	stream.indirect_vreg.gather [hbm4b:s6+s3], $0x80, v4, vm0, $0xb8;
	[tilespmem:$0x10080] =	vst v63  }
0x9b: {  	_ = 	snop  }
0x9c: {  	[tilespmem:s2], [sflag:$0x1] =	stream.indirect_vreg.gather [hbm4b:s1+s3], $0x80, v3, vm0, $0xb8;
	[tilespmem:$0x10080] =	vst v63  }
0x9d: {  	s19 =	simm.s32 $0x6880  }
0x9e: {  	[tilespmem:s19], [sflag:$0x1] =	stream.indirect_vreg.gather [hbm4b:s4+s3], $0x80, v3, vm0, $0xb8;
	[tilespmem:$0x10080] =	vst v63  }
0x9f: {  	_ = 	snop  }
0xa0: {  	[tilespmem:s10], [sflag:$0x1] =	stream.indirect_vreg.gather [hbm4b:s5+s3], $0x80, v3, vm0, $0xb8;
	[tilespmem:$0x10080] =	vst v63  }
0xa1: {  	_ = 	snop  }
0xa2: {  	[tilespmem:s11], [sflag:$0x1] =	stream.indirect_vreg.gather [hbm4b:s6+s3], $0x80, v3, vm0, $0xb8;
	[tilespmem:$0x10080] =	vst v63  }
0xa3: {  	v3 =	vld [tilespmem:$0x20];
	_ =	sdelay $0x4  }
0xa4: {  	v62 =	vshll.u32 v3, $0x3  }
0xa5: {  	v3 =	vand.u32 $0x7, v3;
	v4 =	vand.u32 $0xFFFFFFC0, v62  }
0xa6: {  	v3 =	vor.u32 v3, v4  }
0xa7: {  	v4 =	vperm.xlane v3, v0;
	_ =	sdelay $0x1  }
0xa8: {  	v4 =	vadd.s32 v1, v4;
	_ =	sdelay $0x4  }
0xa9: {  	[tilespmem:s12], [sflag:$0x1] =	stream.indirect_vreg.gather [hbm4b:s1+s3], $0x80, v4, vm0, $0xb8;
	[tilespmem:$0x10080] =	vst v63  }
0xaa: {  	v3 =	vperm.xlane v3, v2  }
0xab: {  	[tilespmem:s13], [sflag:$0x1] =	stream.indirect_vreg.gather [hbm4b:s4+s3], $0x80, v4, vm0, $0xb8;
	[tilespmem:$0x10080] =	vst v63  }
0xac: {  	v3 =	vadd.s32 v1, v3  }
0xad: {  	[tilespmem:s14], [sflag:$0x1] =	stream.indirect_vreg.gather [hbm4b:s5+s3], $0x80, v4, vm0, $0xb8;
	[tilespmem:$0x10080] =	vst v63  }
0xae: {  	_ = 	snop  }
0xaf: {  	[tilespmem:s15], [sflag:$0x1] =	stream.indirect_vreg.gather [hbm4b:s6+s3], $0x80, v4, vm0, $0xb8;
	[tilespmem:$0x10080] =	vst v63  }
0xb0: {  	_ = 	snop  }
0xb1: {  	[tilespmem:s16], [sflag:$0x1] =	stream.indirect_vreg.gather [hbm4b:s1+s3], $0x80, v3, vm0, $0xb8;
	[tilespmem:$0x10080] =	vst v63  }
0xb2: {  	_ = 	snop  }
0xb3: {  	[tilespmem:s17], [sflag:$0x1] =	stream.indirect_vreg.gather [hbm4b:s4+s3], $0x80, v3, vm0, $0xb8;
	[tilespmem:$0x10080] =	vst v63  }
0xb4: {  	_ = 	snop  }
0xb5: {  	[tilespmem:s9], [sflag:$0x1] =	stream.indirect_vreg.gather [hbm4b:s5+s3], $0x80, v3, vm0, $0xb8;
	[tilespmem:$0x10080] =	vst v63  }
0xb6: {  	s19 =	simm.s32 $0xB880  }
0xb7: {  	[tilespmem:s19], [sflag:$0x1] =	stream.indirect_vreg.gather [hbm4b:s6+s3], $0x80, v3, vm0, $0xb8;
	[tilespmem:$0x10080] =	vst v63  }
0xb8: {  	v3 =	vld [tilespmem:$0x30];
	_ =	sdelay $0x4  }
0xb9: {  	v63 =	vshll.u32 v3, $0x3  }
0xba: {  	v3 =	vand.u32 $0x7, v3;
	v4 =	vand.u32 $0xFFFFFFC0, v63  }
0xbb: {  	v3 =	vor.u32 v3, v4  }
0xbc: {  	v4 =	vperm.xlane v3, v0;
	_ =	sdelay $0x1  }
0xbd: {  	v4 =	vadd.s32 v1, v4;
	_ =	sdelay $0x3  }
0xbe: {  	s9 =	simm.s32 $0xC080  }
0xbf: {  	[tilespmem:s9], [sflag:$0x1] =	stream.indirect_vreg.gather [hbm4b:s1+s3], $0x80, v4, vm0, $0xb8;
	[tilespmem:$0x10080] =	vst v63  }
0xc0: {  	s19 =	simm.s32 $0xC880;
	v3 =	vperm.xlane v3, v2  }
0xc1: {  	[tilespmem:s19], [sflag:$0x1] =	stream.indirect_vreg.gather [hbm4b:s4+s3], $0x80, v4, vm0, $0xb8;
	[tilespmem:$0x10080] =	vst v63  }
0xc2: {  	v3 =	vadd.s32 v1, v3;
	s9 =	simm.s32 $0xD080  }
0xc3: {  	[tilespmem:s9], [sflag:$0x1] =	stream.indirect_vreg.gather [hbm4b:s5+s3], $0x80, v4, vm0, $0xb8;
	[tilespmem:$0x10080] =	vst v63  }
0xc4: {  	s19 =	simm.s32 $0xD880  }
0xc5: {  	[tilespmem:s19], [sflag:$0x1] =	stream.indirect_vreg.gather [hbm4b:s6+s3], $0x80, v4, vm0, $0xb8;
	[tilespmem:$0x10080] =	vst v63  }
0xc6: {  	s9 =	simm.s32 $0xE080  }
0xc7: {  	[tilespmem:s9], [sflag:$0x1] =	stream.indirect_vreg.gather [hbm4b:s1+s3], $0x80, v3, vm0, $0xb8;
	[tilespmem:$0x10080] =	vst v63  }
0xc8: {  	s19 =	simm.s32 $0xE880  }
0xc9: {  	[tilespmem:s19], [sflag:$0x1] =	stream.indirect_vreg.gather [hbm4b:s4+s3], $0x80, v3, vm0, $0xb8;
	[tilespmem:$0x10080] =	vst v63  }
0xca: {  	s9 =	simm.s32 $0xF080  }
0xcb: {  	[tilespmem:s9], [sflag:$0x1] =	stream.indirect_vreg.gather [hbm4b:s5+s3], $0x80, v3, vm0, $0xb8;
	[tilespmem:$0x10080] =	vst v63  }
0xcc: {  	s19 =	simm.s32 $0xF880  }
0xcd: {  	[tilespmem:s19], [sflag:$0x1] =	stream.indirect_vreg.gather [hbm4b:s6+s3], $0x80, v3, vm0, $0xb8;
	[tilespmem:$0x10080] =	vst v63  }
0xce: {  	_ =	swait.ge [sflag:s18], $0x10000  }
0xcf: {  	p0 =	sne.s32 s7, $0x1;
	[sflag:s18] =	ssyncset.done $0x0  }
.Ltmp0:
0xd0: {  	s9 =	rddreg [dreg:$0x7];
	[sflag:s18] =	ssyncadd.s32 $0xFFFF0000;
	(pc) =	sbr.rel @p0 .LBB2_1-.Ltmp0, $4  }
0xd1: {  	[hbm4b:s9+s3] =	stream.linear.scatter [tilespmem:s0], [sflag:$0x2], $0x10000, $0x38;
	[tilespmem:$0x10080] =	vst v63  }
0xd2: {  	_ =	swait.ge [sflag:s8], $0x10000  }
0xd3: {  	[sflag:s8] =	ssyncset.done $0x0  }
0xd4: {  	s7 =	sadd.s32 $0xFFFFFFFF, s7;
	[sflag:s8] =	ssyncadd.s32 $0xFFFF0000  }
0xd5: {  	_ =	sfence.sel $0x180000  }
0xd6: {  	[bflag:$0x0] =	sbarrier.arrive $0xFFFF  }
0xd7: {  	_ =	strace $0x9000004A  }
0xd8: {  	s0 =	stileid.u32;
	[bflag:$0x2] =	sbarrier.arrive $0xFFFF  }
0xd9: {  	p0 =	sne.s32 s0, $0x0;
	s0 =	rddreg [dreg:$0x3]  }
0xda: {  	s0 =	sadd.s32 @!p0 $0x100000, s0  }
0xdb: {  	[sflag:s0] =	ssyncadd.tile.s32 @!p0 $0x1;
	_ =	shalt  }
.Lfunc_end2:
_tile_overlayer_lowered:
.L_overlay_start_2:
0xdc: {  	(tag) =	ssettag $0x2  }
0xdd: {  	s0 =	rddreg [dreg:$0x0];
	s2 =	stileid.u32  }
0xde: {  	s1 =	rddreg [dreg:$0x1];
	p0 =	sne.s32 s2, $0x0  }
0xdf: {  	s3 =	rddreg [dreg:$0x2];
	[bflag:$0x3] =	sbarrier.arrive $0xFFFF;
	s2 =	simm.s32 @!p0 $0x1C02  }
0xe0: {  	[timem:s3], [sflag:s2] =	dma.local @!p0 [hbm:s0], s1  }
0xe1: {  	s0 =	simm.s32 @!p0 $0x2  }
0xe2: {  	_ =	swait.ge @!p0 [sflag:s0], s1  }
0xe3: {  	s1 =	ssub.s32 @!p0 $0x0, s1;
	[sflag:s0] =	ssyncset.done @!p0 $0x0  }
0xe4: {  	[sflag:s0] =	ssyncadd.s32 @!p0 s1  }
0xe5: {  	[bflag:$0x3] =	sbarrier.arrive $0xFFFF  }
0xe6: {  	_ =	shalt  }

// kernel: kernel.13.cloned.1.call-start
scs
__scs_entry_jumppad:
0x0: {  	(pc) =	sbr.rel $0x88, $3  }
0x1: {  	(tag) =	ssettag $0x0;
	lr =	simm.s32 $0x1  }
0x2: {  	[smem:$0x3F9A] =	sst lr;
	_ =	strace $0xD0000000  }
0x3: {  	_ = 	snop  }
0x4: {  	_ = 	snop  }
0x5: {  	_ = 	snop  }
0x6: {  	_ = 	snop  }
0x7: {  	_ = 	snop  }
__scs_overlays_trampoline_lowered:
0x8: {  	[smem:$0x3FA9] =	sst s0  }
0x9: {  	[smem:$0x3FAA] =	sst s1  }
0xa: {  	[smem:$0x3FAB] =	sst s2  }
0xb: {  	[smem:$0x3FAC] =	sst s3  }
0xc: {  	[smem:$0x3FAD] =	sst s4  }
0xd: {  	[smem:$0x3FAE] =	sst s5  }
0xe: {  	[smem:$0x3FAF] =	sst s6  }
0xf: {  	[smem:$0x3FB0] =	sst s7  }
0x10: {  	[smem:$0x3FB1] =	sst s8  }
0x11: {  	[smem:$0x3FB2] =	sst s9;
	s0 =	simm.s32 @!p0 $0x0  }
0x12: {  	s1 =	sld [smem:$0x3F98];
	s0 =	simm.s32 @p0 $0x1  }
0x13: {  	[smem:$0x3FB3] =	sst s0;
	s0 =	simm.s32 @!p1 $0x0  }
0x14: {  	s2 =	sld [smem:$0x3F97];
	s0 =	simm.s32 @p1 $0x1  }
0x15: {  	[smem:$0x3FB4] =	sst s0;
	s0 =	simm.s32 @!p2 $0x0  }
0x16: {  	s3 =	sld [smem:$0x3FDB];
	s0 =	simm.s32 @p2 $0x1  }
0x17: {  	s4 =	simm.s32 $0x1BF5;
	[smem:$0x3FB6] =	sst s0  }
0x18: {  	s0 =	sld [smem:$0x3F99];
	_ =	swait.ge [sflag:s4], $0x0  }
0x19: {  	s7 =	sld [smem:$0x3F9A]  }
0x1a: {  	s8 =	sadd.s32 $0xFFFFE003, lr  }
0x1b: {  	s9 =	sadd.s32 $0xFFFFFEF7, lr;
	s5 =	simm.s32 $0xFFFFFFFF;
	p2 =	slt.u32 s8, $0xFFFFF086  }
0x1c: {  	p1 =	slt.u32 s9, $0xF7A;
	s5 =	simm.s32 @!p2 $0x0  }
0x1d: {  	s5 =	simm.s32 @p1 $0x1;
	p0 =	seq.s32 s7, s2  }
0x1e: {  	s7 =	smul.u32 @!p0 $0xF7A, s2;
	p2 =	seq.s32 @!p0 s5, $0x0  }
0x1f: {  	s9 =	smul.u32 $0xF7A, s1;
	s8 =	simm.s32 @!p0 $0x1BF5;
	p2 =	por !p2, p0  }
0x20: {  	[sflag:s8] =	ssyncset.s32 @!p0 $0xFFFFF086;
	s6 =	sadd.s32 @!p0 s3, s7;
	s7 =	simm.s32 @!p0 $0x108  }
0x21: {  	s3 =	sadd.s32 s3, s9;
	s6 =	sadd.s32 @!p0 $0x88, s6;
	s7 =	simm.s32 @p2 $0x1082  }
0x22: {  	[simem:s7], [sflag:s8] =	dma.local @!p0 [hbm:s6], $0xF7A  }
0x23: {  	s9 =	sor.u32 $0xD0000000, s2;
	s6 =	simm.s32 $0x108;
	_ =	swait.ge @!p0 [sflag:s8], $0x0  }
0x24: {  	s3 =	sadd.s32 $0x88, s3;
	s6 =	simm.s32 @!p1 $0x1082;
	[sflag:s4] =	ssyncset.s32 $0xFFFFF086  }
0x25: {  	[simem:s6], [sflag:s4] =	dma.local [hbm:s3], $0xF7A  }
0x26: {  	[smem:$0x3F9A] =	sst s1;
	(tag) =	ssettag s2;
	_ =	strace s9  }
0x27: {  	s1 =	sld [smem:$0x3FAA]  }
0x28: {  	s2 =	sld [smem:$0x3FAB]  }
0x29: {  	s4 =	sld [smem:$0x3FAD]  }
0x2a: {  	p0 =	seq.s32 s5, $0x0;
	s5 =	sld [smem:$0x3FAE]  }
0x2b: {  	s6 =	sld [smem:$0x3FAF]  }
0x2c: {  	s7 =	sld [smem:$0x3FB0]  }
0x2d: {  	s3 =	simm.s32 $0x108;
	s8 =	sld [smem:$0x3FB1]  }
0x2e: {  	s3 =	simm.s32 @!p0 $0x1082;
	s9 =	sld [smem:$0x3FB2]  }
0x2f: {  	lr =	sadd.s32 s0, s3;
	s0 =	sld [smem:$0x3FA9]  }
0x30: {  	s3 =	sld [smem:$0x3FAC]  }
0x31: {  	[smem:$0x3FB5] =	sst s10  }
0x32: {  	s10 =	sld [smem:$0x3FB3];
	_ =	sdelay $0x3  }
0x33: {  	p0 =	seq.s32 s10, $0x1;
	s10 =	sld [smem:$0x3FB5];
	_ =	sdelay $0x3  }
0x34: {  	[smem:$0x3FB5] =	sst s10  }
0x35: {  	s10 =	sld [smem:$0x3FB4];
	_ =	sdelay $0x3  }
0x36: {  	p1 =	seq.s32 s10, $0x1;
	s10 =	sld [smem:$0x3FB5];
	_ =	sdelay $0x3  }
0x37: {  	[smem:$0x3FB5] =	sst s10  }
0x38: {  	s10 =	sld [smem:$0x3FB6]  }
0x39: {  	_ = 	snop;
	(pc) =	sbr.ind lr, $3  }
0x3a: {  	_ = 	snop  }
0x3b: {  	_ = 	snop  }
0x3c: {  	p2 =	seq.s32 s10, $0x1;
	s10 =	sld [smem:$0x3FB5]  }
0x3d: {  	_ =	shalt  }
0x3e: {  	_ =	shalt  }
0x3f: {  	_ =	shalt  }
0x40: {  	_ =	shalt  }
0x41: {  	_ =	shalt  }
0x42: {  	_ =	shalt  }
0x43: {  	_ =	shalt  }
0x44: {  	_ =	shalt  }
0x45: {  	_ =	shalt  }
0x46: {  	_ =	shalt  }
0x47: {  	_ =	shalt  }
0x48: {  	_ =	shalt  }
0x49: {  	_ =	shalt  }
0x4a: {  	_ =	shalt  }
0x4b: {  	_ =	shalt  }
0x4c: {  	_ =	shalt  }
0x4d: {  	_ =	shalt  }
0x4e: {  	_ =	shalt  }
0x4f: {  	_ =	shalt  }
0x50: {  	_ =	shalt  }
0x51: {  	_ =	shalt  }
0x52: {  	_ =	shalt  }
0x53: {  	_ =	shalt  }
0x54: {  	_ =	shalt  }
0x55: {  	_ =	shalt  }
0x56: {  	_ =	shalt  }
0x57: {  	_ =	shalt  }
0x58: {  	_ =	shalt  }
0x59: {  	_ =	shalt  }
0x5a: {  	_ =	shalt  }
0x5b: {  	_ =	shalt  }
0x5c: {  	_ =	shalt  }
0x5d: {  	_ =	shalt  }
0x5e: {  	_ =	shalt  }
0x5f: {  	_ =	shalt  }
0x60: {  	_ =	shalt  }
0x61: {  	_ =	shalt  }
0x62: {  	_ =	shalt  }
0x63: {  	_ =	shalt  }
0x64: {  	_ =	shalt  }
0x65: {  	_ =	shalt  }
0x66: {  	_ =	shalt  }
0x67: {  	_ =	shalt  }
0x68: {  	_ =	shalt  }
0x69: {  	_ =	shalt  }
0x6a: {  	_ =	shalt  }
0x6b: {  	_ =	shalt  }
0x6c: {  	_ =	shalt  }
0x6d: {  	_ =	shalt  }
0x6e: {  	_ =	shalt  }
0x6f: {  	_ =	shalt  }
0x70: {  	_ =	shalt  }
0x71: {  	_ =	shalt  }
0x72: {  	_ =	shalt  }
0x73: {  	_ =	shalt  }
0x74: {  	_ =	shalt  }
0x75: {  	_ =	shalt  }
0x76: {  	_ =	shalt  }
0x77: {  	_ =	shalt  }
0x78: {  	_ =	shalt  }
0x79: {  	_ =	shalt  }
0x7a: {  	_ =	shalt  }
0x7b: {  	_ =	shalt  }
0x7c: {  	_ =	shalt  }
0x7d: {  	_ =	shalt  }
0x7e: {  	_ =	shalt  }
0x7f: {  	_ =	shalt  }
0x80: {  	_ =	shalt  }
0x81: {  	_ =	shalt  }
0x82: {  	_ =	shalt  }
0x83: {  	_ =	shalt  }
0x84: {  	_ =	shalt  }
0x85: {  	_ =	shalt  }
0x86: {  	_ =	shalt  }
0x87: {  	_ =	shalt  }
.Lfunc_end0:
.L_simem_size_0:
called_computation.2_lowered:
.L_overlay_start_0:
0x88: {  	s2 =	sld [smem:$0x3FD9]  }
0x89: {  	s3 =	sld [smem:$0x3FFE];
	_ =	sdelay $0x1  }
0x8a: {  	s1 =	srdreg.scid  }
0x8b: {  	s0 =	sand.u32 $0x1, s1  }
0x8c: {  	s14 =	sshll.u32 s0, $0xA;
	s2 =	sadd.s32 s3, s2  }
0x8d: {  	s2 =	sadd.s32 s2, s14  }
0x8e: {  	[smem:$0x3FC1] =	sst s2  }
0x8f: {  	_ = 	snop  }
0x90: {  	s2 =	sld [smem:$0x3FD0];
	_ =	sdelay $0x2  }
0x91: {  	s15 =	simm.s32 $0xA;
	s4 =	simm.s32 $0x10  }
0x92: {  	[smem:s4], [sflag:s15] =	dma.local [hbm:s2], $0x1  }
0x93: {  	_ =	swait.eq [sflag:s15], $0x1  }
0x94: {  	[sflag:s15] =	ssyncset.done $0x0  }
0x95: {  	[sflag:s15] =	ssyncadd.s32 $0xFFFFFFFF  }
0x96: {  	s16 =	sld [smem:$0x10];
	(tm) =	ssettm $0x1  }
0x97: {  	s17 =	sld [smem:$0x3FFB];
	_ =	sdelay $0x3  }
0x98: {  	_ =	strace s17  }
0x99: {  	s3 =	sld [smem:$0x3FFC];
	_ =	sdelay $0x3  }
0x9a: {  	_ =	strace s3  }
0x9b: {  	s3 =	sld [smem:$0x3FFD];
	_ =	sdelay $0x3  }
0x9c: {  	_ =	strace s3  }
0x9d: {  	_ =	strace $0x8FFFFFFF  }
0x9e: {  	s18 =	sld [smem:$0x3FDB];
	_ =	sdelay $0x1  }
0x9f: {  	s19 =	simm.s32 $_scs_section_size  }
0xa0: {  	s5 =	simm.s32 $_size__tile_overlayer_lowered;
	s6 =	simm.s32 $_tile_overlayer_lowered  }
0xa1: {  	s22 =	simm.s32 $0x1BFF;
	s21 =	sshll.u32 s6, $0x1;
	s3 =	sadd.s32 s19, s18  }
0xa2: {  	s7 =	simm.s32 $0x0;
	s20 =	sshll.u32 s5, $0x1;
	s5 =	sadd.s32 s21, s3  }
0xa3: {  	[timem:s7], [sflag:s22] =	dma.local [hbm:s5], s20  }
0xa4: {  	_ =	swait.ge [sflag:s22], s20  }
0xa5: {  	s4 =	ssub.s32 $0x0, s20;
	[sflag:s22] =	ssyncset.done $0x0  }
0xa6: {  	[sflag:s22] =	ssyncadd.s32 s4;
	_ =	sdelay $0x1  }
0xa7: {  	s23 =	simm.s32 $0x1B8B  }
0xa8: {  	_ =	swait.ge [sflag:s23], $0x1  }
0xa9: {  	[sflag:s23] =	ssyncset.done $0x0  }
0xaa: {  	s25 =	simm.s32 $0x1B8E;
	s24 =	sld [smem:$0x3FFE];
	[sflag:s23] =	ssyncadd.s32 $0xFFFFFFFF  }
0xab: {  	s26 =	simm.s32 $execute0_lowered;
	[smem:$0x3FD2] =	sst s25  }
0xac: {  	s5 =	sshll.u32 s26, $0x1;
	_ =	strace $0x8000004C;
	[dreg:$0x1] =	wrdreg $0xFFFFFFFF  }
0xad: {  	s28 =	simm.s32 $_size_execute0_lowered;
	s3 =	sadd.s32 s3, s5;
	[dreg:$0x0] =	wrdreg $0x0  }
0xae: {  	s5 =	sshll.u32 s28, $0x1;
	[dreg:$0x2] =	wrdreg s3  }
0xaf: {  	[dreg:$0x3] =	wrdreg s5  }
0xb0: {  	[dreg:$0x4] =	wrdreg $0xC0  }
0xb1: {  	_ =	task [dreg:s7], $0x5FFFF  }
0xb2: {  	[dreg:$0x1] =	wrdreg $0xFFFFFFFF  }
0xb3: {  	[dreg:$0x0] =	wrdreg $0x60  }
0xb4: {  	[dreg:$0x2] =	wrdreg s24  }
0xb5: {  	[dreg:$0x3] =	wrdreg s16  }
0xb6: {  	[dreg:$0x4] =	wrdreg $0x9  }
0xb7: {  	_ =	task.clear_ibuf [dreg:s7], $0x5FFFF;
	_ =	strace $0x9000004C  }
0xb8: {  	s29 =	simm.s32 $0x9;
	_ =	strace $0x8000004E  }
0xb9: {  	_ =	swait.ge [sflag:s29], $0x1  }
0xba: {  	[sflag:s29] =	ssyncadd.s32 $0xFFFFFFFF  }
0xbb: {  	_ =	strace $0x9000004E  }
0xbc: {  	_ =	sfence  }
0xbd: {  	s30 =	sld [smem:$0x0];
	_ =	sdelay $0x2  }
0xbe: {  	s31 =	sshll.u32 s1, $0xD;
	s1 =	sshrl.u32 s1, $0x2  }
0xbf: {  	s3 =	sand.u32 $0x4000, s31;
	s1 =	sadd.s32 s1, s30  }
0xc0: {  	s0 =	sor.u32 s3, s0;
	s1 =	sshll.u32 s1, $0x11  }
0xc1: {  	s0 =	sor.u32 s1, s0  }
0xc2: {  	s0 =	sadd.s32 $0x8F2B, s0  }
0xc3: {  	[sflag:s0] =	ssyncadd.remote.s32 $0x1  }
0xc4: {  	_ =	sfence.sel $0xFFFF  }
0xc5: {  	[dreg:$0x0] =	wrdreg $0xFFFFFFFF;
	(pc) =	sbr.abs _section_cstart, $3  }
0xc6: {  	[dreg:$0x1] =	wrdreg $0xFFFFFFFF  }
0xc7: {  	_ =	task.clear_ibuf [dreg:s7], $0x2FFFF;
	_ =	strace $0x9FFFFFFF  }
0xc8: {  	(tm) =	ssettm $0x7FFFFFFF  }
0xc9: {  	_ =	shalt  }
tec
execute0_lowered:
.L_overlay_start_1:
0x0: {  	(tag) =	ssettag $0x1  }
0x1: {  	s0 =	rddreg [dreg:$0x0]  }
0x2: {  	s2 =	rddreg [dreg:$0x1];
	s1 =	simm.s32 $0x0  }
0x3: {  	s4 =	srdreg.scid;
	s9 =	stileid.u32;
	s14 =	simm.s32 $0xA500  }
0x4: {  	s15 =	simm.s32 $0xAD00;
	s16 =	simm.s32 $0xBD00;
	s28 =	simm.s32 $0xE500  }
0x5: {  	s29 =	simm.s32 $0xED00;
	s30 =	simm.s32 $0xF500;
	s31 =	simm.s32 $0xFD00  }
0x6: {  	[smem:$0x7FF] =	sst s1;
	s3 =	sadd.s32 $0x400, s0;
	s4 =	sand.u32 $0x1, s4  }
0x7: {  	s5 =	sadd.s32 $0x200, s0;
	s7 =	sadd.s32 $0x80400, s0;
	s9 =	sshll.u32 s9, $0x1  }
0x8: {  	s11 =	sadd.s32 $0x81400, s0;
	s6 =	ssub.s32 $0x2, s4;
	s4 =	sor.u32 s4, s9  }
0x9: {  	_ =	strace $0x8000004D;
	s8 =	sshrl.u32 s6, $0x1;
	s9 =	sshll.u32 s4, $0x6  }
0xa: {  	s17 =	sshll.u32 s4, $0x3;
	s10 =	sshll.u32 s4, $0x7;
	s4 =	sshll.u32 s4, $0xD  }
0xb: {  	s6 =	ssub.s32 s6, s8;
	s12 =	sadd.s32 s0, s17;
	s8 =	sadd.s32 s5, s17  }
0xc: {  	s18 =	sadd.s32 s7, s10;
	s19 =	sadd.s32 s11, s10;
	[dreg:$0x3] =	wrdreg s12  }
0xd: {  	s20 =	sor.u32 $0x20, s9;
	s9 =	sadd.s32 $0x600, s0;
	[dreg:$0x4] =	wrdreg s8  }
0xe: {  	s10 =	sadd.s32 $0x700, s0;
	s4 =	sadd.s32 s2, s4;
	[dreg:$0x5] =	wrdreg s18  }
0xf: {  	s17 =	simm.s32 $0xCD00;
	[dreg:$0x6] =	wrdreg s19;
	s8 =	sadd.s32 $0x500, s0  }
0x10: {  	s13 =	sshrl.u32 s20, $0x3;
	[dreg:$0x7] =	wrdreg s4;
	s22 =	sshll.u32 s20, $0x1  }
0x11: {  	s23 =	sshll.u32 s20, $0x7;
	s26 =	smax.u32 s6, $0x1;
	s18 =	simm.s32 $0x2  }
0x12: {  	s19 =	simm.s32 $0x80;
	s0 =	sadd.s32 s0, s13;
	[dreg:$0xd] =	wrdreg s26  }
0x13: {  	s12 =	simm.s32 $0x1;
	s21 =	sadd.s32 s5, s13;
	[dreg:$0x8] =	wrdreg s0  }
0x14: {  	s20 =	simm.s32 $0x9500;
	s24 =	sadd.s32 s7, s22;
	[dreg:$0x9] =	wrdreg s21  }
0x15: {  	s25 =	sadd.s32 s2, s23;
	s23 =	simm.s32 $0xB500;
	[dreg:$0xa] =	wrdreg s24  }
0x16: {  	v2 =	vlaneseq.u32;
	s26 =	simm.s32 $0xDD00;
	s0 =	sadd.s32 s11, s22;
	[dreg:$0xc] =	wrdreg s25  }
0x17: {  	vm0 =	vmmov $0xffff;
	v1 =	vshrl.u32 v2, $0x3;
	s22 =	simm.s32 $0x500;
	s21 =	simm.s32 $0x9D00;
	s24 =	simm.s32 $0xC500  }
0x18: {  	v0 =	vand.u32 $0x7, v2;
	v2 =	vor.u32 $0x8, v2;
	v1 =	vmul.u32 $0x8, v1;
	s25 =	simm.s32 $0xD500;
	[dreg:$0xb] =	wrdreg s0;
	s0 =	simm.s32 $0x0  }
.LBB2_1:
0x19: {  	s2 =	rddreg [dreg:$0x3]  }
0x1a: {  	[tilespmem:s1], [sflag:$0x2] =	stream.linear.gather [hbm4b:s2+s1], $0x20, $0x38;
	[tilespmem:$0x10500] =	vst v63  }
0x1b: {  	_ =	swait.ge [sflag:s18], $0x20  }
0x1c: {  	[sflag:s18] =	ssyncset.done $0x0  }
0x1d: {  	s6 =	rddreg [dreg:$0x4];
	[sflag:s18] =	ssyncadd.s32 $0xFFFFFFE0  }
0x1e: {  	[tilespmem:s19], [sflag:$0x2] =	stream.linear.gather [hbm4b:s6+s1], $0x20, $0x38;
	[tilespmem:$0x10500] =	vst v63  }
0x1f: {  	_ =	swait.ge [sflag:s18], $0x20  }
0x20: {  	[sflag:s18] =	ssyncset.done $0x0  }
0x21: {  	s4 =	simm.s32 $0x100;
	s7 =	rddreg [dreg:$0x5];
	[sflag:s18] =	ssyncadd.s32 $0xFFFFFFE0  }
0x22: {  	[tilespmem:s4], [sflag:$0x2] =	stream.linear.gather [hbm4b:s7+s1], $0x200, $0x38;
	[tilespmem:$0x10500] =	vst v63  }
0x23: {  	_ =	swait.ge [sflag:s18], $0x200  }
0x24: {  	[sflag:s18] =	ssyncset.done $0x0  }
0x25: {  	s13 =	simm.s32 $0x300;
	s11 =	rddreg [dreg:$0x6];
	[sflag:s18] =	ssyncadd.s32 $0xFFFFFE00  }
0x26: {  	[tilespmem:s13], [sflag:$0x2] =	stream.linear.gather [hbm4b:s11+s1], $0x200, $0x38;
	[tilespmem:$0x10500] =	vst v63  }
0x27: {  	_ =	swait.ge [sflag:s18], $0x200  }
0x28: {  	[sflag:s18] =	ssyncset.done $0x0  }
0x29: {  	[sflag:s18] =	ssyncadd.s32 $0xFFFFFE00  }
0x2a: {  	v3 =	vld [tilespmem:$0x0];
	_ =	sdelay $0x4  }
0x2b: {  	v4 =	vshll.u32 v3, $0x3  }
0x2c: {  	v3 =	vand.u32 $0x7, v3;
	v4 =	vand.u32 $0xFFFFFFC0, v4  }
0x2d: {  	v3 =	vor.u32 v3, v4  }
0x2e: {  	v4 =	vperm.xlane v3, v0;
	_ =	sdelay $0x1  }
0x2f: {  	v4 =	vadd.s32 v1, v4;
	_ =	sdelay $0x4  }
0x30: {  	[tilespmem:s22], [sflag:$0x1] =	stream.indirect_vreg.gather [hbm4b:s3+s1], $0x80, v4, vm0, $0xb8;
	[tilespmem:$0x10500] =	vst v63  }
0x31: {  	s5 =	simm.s32 $0xD00;
	v3 =	vperm.xlane v3, v2  }
0x32: {  	[tilespmem:s5], [sflag:$0x1] =	stream.indirect_vreg.gather [hbm4b:s8+s1], $0x80, v4, vm0, $0xb8;
	[tilespmem:$0x10500] =	vst v63  }
0x33: {  	s6 =	simm.s32 $0x1500;
	v3 =	vadd.s32 v1, v3  }
0x34: {  	[tilespmem:s6], [sflag:$0x1] =	stream.indirect_vreg.gather [hbm4b:s9+s1], $0x80, v4, vm0, $0xb8;
	[tilespmem:$0x10500] =	vst v63  }
0x35: {  	s7 =	simm.s32 $0x1D00  }
0x36: {  	[tilespmem:s7], [sflag:$0x1] =	stream.indirect_vreg.gather [hbm4b:s10+s1], $0x80, v4, vm0, $0xb8;
	[tilespmem:$0x10500] =	vst v63  }
0x37: {  	s11 =	simm.s32 $0x2500  }
0x38: {  	[tilespmem:s11], [sflag:$0x1] =	stream.indirect_vreg.gather [hbm4b:s3+s1], $0x80, v3, vm0, $0xb8;
	[tilespmem:$0x10500] =	vst v63  }
0x39: {  	s13 =	simm.s32 $0x2D00  }
0x3a: {  	[tilespmem:s13], [sflag:$0x1] =	stream.indirect_vreg.gather [hbm4b:s8+s1], $0x80, v3, vm0, $0xb8;
	[tilespmem:$0x10500] =	vst v63  }
0x3b: {  	s4 =	simm.s32 $0x3500  }
0x3c: {  	[tilespmem:s4], [sflag:$0x1] =	stream.indirect_vreg.gather [hbm4b:s9+s1], $0x80, v3, vm0, $0xb8;
	[tilespmem:$0x10500] =	vst v63  }
0x3d: {  	s5 =	simm.s32 $0x3D00  }
0x3e: {  	[tilespmem:s5], [sflag:$0x1] =	stream.indirect_vreg.gather [hbm4b:s10+s1], $0x80, v3, vm0, $0xb8;
	[tilespmem:$0x10500] =	vst v63  }
0x3f: {  	v3 =	vld [tilespmem:$0x10];
	_ =	sdelay $0x4  }
0x40: {  	v61 =	vshll.u32 v3, $0x3  }
0x41: {  	v3 =	vand.u32 $0x7, v3;
	v4 =	vand.u32 $0xFFFFFFC0, v61  }
0x42: {  	v3 =	vor.u32 v3, v4  }
0x43: {  	v4 =	vperm.xlane v3, v0;
	_ =	sdelay $0x1  }
0x44: {  	v4 =	vadd.s32 v1, v4;
	_ =	sdelay $0x3  }
0x45: {  	s6 =	simm.s32 $0x4500  }
0x46: {  	[tilespmem:s6], [sflag:$0x1] =	stream.indirect_vreg.gather [hbm4b:s3+s1], $0x80, v4, vm0, $0xb8;
	[tilespmem:$0x10500] =	vst v63  }
0x47: {  	s7 =	simm.s32 $0x4D00;
	v3 =	vperm.xlane v3, v2  }
0x48: {  	[tilespmem:s7], [sflag:$0x1] =	stream.indirect_vreg.gather [hbm4b:s8+s1], $0x80, v4, vm0, $0xb8;
	[tilespmem:$0x10500] =	vst v63  }
0x49: {  	s11 =	simm.s32 $0x5500;
	v3 =	vadd.s32 v1, v3  }
0x4a: {  	[tilespmem:s11], [sflag:$0x1] =	stream.indirect_vreg.gather [hbm4b:s9+s1], $0x80, v4, vm0, $0xb8;
	[tilespmem:$0x10500] =	vst v63  }
0x4b: {  	s13 =	simm.s32 $0x5D00  }
0x4c: {  	[tilespmem:s13], [sflag:$0x1] =	stream.indirect_vreg.gather [hbm4b:s10+s1], $0x80, v4, vm0, $0xb8;
	[tilespmem:$0x10500] =	vst v63  }
0x4d: {  	s4 =	simm.s32 $0x6500  }
0x4e: {  	[tilespmem:s4], [sflag:$0x1] =	stream.indirect_vreg.gather [hbm4b:s3+s1], $0x80, v3, vm0, $0xb8;
	[tilespmem:$0x10500] =	vst v63  }
0x4f: {  	s5 =	simm.s32 $0x6D00  }
0x50: {  	[tilespmem:s5], [sflag:$0x1] =	stream.indirect_vreg.gather [hbm4b:s8+s1], $0x80, v3, vm0, $0xb8;
	[tilespmem:$0x10500] =	vst v63  }
0x51: {  	s6 =	simm.s32 $0x7500  }
0x52: {  	[tilespmem:s6], [sflag:$0x1] =	stream.indirect_vreg.gather [hbm4b:s9+s1], $0x80, v3, vm0, $0xb8;
	[tilespmem:$0x10500] =	vst v63  }
0x53: {  	s7 =	simm.s32 $0x7D00  }
0x54: {  	[tilespmem:s7], [sflag:$0x1] =	stream.indirect_vreg.gather [hbm4b:s10+s1], $0x80, v3, vm0, $0xb8;
	[tilespmem:$0x10500] =	vst v63  }
0x55: {  	_ =	swait.ge [sflag:s12], $0x8000  }
0x56: {  	[sflag:s12] =	ssyncset.done $0x0  }
0x57: {  	[sflag:s12] =	ssyncadd.s32 $0xFFFF8000  }
0x58: {  	v3 =	vld [tilespmem:$0x80];
	_ =	sdelay $0x4  }
0x59: {  	v62 =	vshll.u32 v3, $0x3  }
0x5a: {  	v3 =	vand.u32 $0x7, v3;
	v4 =	vand.u32 $0xFFFFFFC0, v62  }
0x5b: {  	v3 =	vor.u32 v3, v4  }
0x5c: {  	v4 =	vperm.xlane v3, v0;
	_ =	sdelay $0x1  }
0x5d: {  	v4 =	vadd.s32 v1, v4;
	_ =	sdelay $0x3  }
0x5e: {  	s11 =	simm.s32 $0x8500  }
0x5f: {  	[tilespmem:s11], [sflag:$0x1] =	stream.indirect_vreg.gather [hbm4b:s3+s1], $0x80, v4, vm0, $0xb8;
	[tilespmem:$0x10500] =	vst v63  }
0x60: {  	s13 =	simm.s32 $0x8D00;
	v3 =	vperm.xlane v3, v2  }
0x61: {  	[tilespmem:s13], [sflag:$0x1] =	stream.indirect_vreg.gather [hbm4b:s8+s1], $0x80, v4, vm0, $0xb8;
	[tilespmem:$0x10500] =	vst v63  }
0x62: {  	v3 =	vadd.s32 v1, v3  }
0x63: {  	[tilespmem:s20], [sflag:$0x1] =	stream.indirect_vreg.gather [hbm4b:s9+s1], $0x80, v4, vm0, $0xb8;
	[tilespmem:$0x10500] =	vst v63  }
0x64: {  	_ = 	snop  }
0x65: {  	[tilespmem:s21], [sflag:$0x1] =	stream.indirect_vreg.gather [hbm4b:s10+s1], $0x80, v4, vm0, $0xb8;
	[tilespmem:$0x10500] =	vst v63  }
0x66: {  	_ = 	snop  }
0x67: {  	[tilespmem:s14], [sflag:$0x1] =	stream.indirect_vreg.gather [hbm4b:s3+s1], $0x80, v3, vm0, $0xb8;
	[tilespmem:$0x10500] =	vst v63  }
0x68: {  	_ = 	snop  }
0x69: {  	[tilespmem:s15], [sflag:$0x1] =	stream.indirect_vreg.gather [hbm4b:s8+s1], $0x80, v3, vm0, $0xb8;
	[tilespmem:$0x10500] =	vst v63  }
0x6a: {  	_ = 	snop  }
0x6b: {  	[tilespmem:s23], [sflag:$0x1] =	stream.indirect_vreg.gather [hbm4b:s9+s1], $0x80, v3, vm0, $0xb8;
	[tilespmem:$0x10500] =	vst v63  }
0x6c: {  	_ = 	snop  }
0x6d: {  	[tilespmem:s16], [sflag:$0x1] =	stream.indirect_vreg.gather [hbm4b:s10+s1], $0x80, v3, vm0, $0xb8;
	[tilespmem:$0x10500] =	vst v63  }
0x6e: {  	v3 =	vld [tilespmem:$0x90];
	_ =	sdelay $0x4  }
0x6f: {  	v63 =	vshll.u32 v3, $0x3  }
0x70: {  	v3 =	vand.u32 $0x7, v3;
	v4 =	vand.u32 $0xFFFFFFC0, v63  }
0x71: {  	v3 =	vor.u32 v3, v4  }
0x72: {  	v4 =	vperm.xlane v3, v0;
	_ =	sdelay $0x1  }
0x73: {  	v4 =	vadd.s32 v1, v4;
	_ =	sdelay $0x4  }
0x74: {  	[tilespmem:s24], [sflag:$0x1] =	stream.indirect_vreg.gather [hbm4b:s3+s1], $0x80, v4, vm0, $0xb8;
	[tilespmem:$0x10500] =	vst v63  }
0x75: {  	v3 =	vperm.xlane v3, v2  }
0x76: {  	[tilespmem:s17], [sflag:$0x1] =	stream.indirect_vreg.gather [hbm4b:s8+s1], $0x80, v4, vm0, $0xb8;
	[tilespmem:$0x10500] =	vst v63  }
0x77: {  	v3 =	vadd.s32 v1, v3  }
0x78: {  	[tilespmem:s25], [sflag:$0x1] =	stream.indirect_vreg.gather [hbm4b:s9+s1], $0x80, v4, vm0, $0xb8;
	[tilespmem:$0x10500] =	vst v63  }
0x79: {  	_ = 	snop  }
0x7a: {  	[tilespmem:s26], [sflag:$0x1] =	stream.indirect_vreg.gather [hbm4b:s10+s1], $0x80, v4, vm0, $0xb8;
	[tilespmem:$0x10500] =	vst v63  }
0x7b: {  	_ = 	snop  }
0x7c: {  	[tilespmem:s28], [sflag:$0x1] =	stream.indirect_vreg.gather [hbm4b:s3+s1], $0x80, v3, vm0, $0xb8;
	[tilespmem:$0x10500] =	vst v63  }
0x7d: {  	_ = 	snop  }
0x7e: {  	[tilespmem:s29], [sflag:$0x1] =	stream.indirect_vreg.gather [hbm4b:s8+s1], $0x80, v3, vm0, $0xb8;
	[tilespmem:$0x10500] =	vst v63  }
0x7f: {  	_ = 	snop  }
0x80: {  	[tilespmem:s30], [sflag:$0x1] =	stream.indirect_vreg.gather [hbm4b:s9+s1], $0x80, v3, vm0, $0xb8;
	[tilespmem:$0x10500] =	vst v63  }
0x81: {  	_ = 	snop  }
0x82: {  	[tilespmem:s31], [sflag:$0x1] =	stream.indirect_vreg.gather [hbm4b:s10+s1], $0x80, v3, vm0, $0xb8;
	[tilespmem:$0x10500] =	vst v63  }
0x83: {  	_ =	swait.ge [sflag:s12], $0x8000  }
0x84: {  	[sflag:s12] =	ssyncset.done $0x0  }
0x85: {  	s2 =	simm.s32 $0x0;
	[sflag:s12] =	ssyncadd.s32 $0xFFFF8000  }
.LBB2_2:
0x86: {  	s4 =	sshll.u32 s2, $0xA;
	s5 =	sshll.u32 s2, $0x7  }
0x87: {  	s6 =	simm.s32 $0x0;
	s4 =	sand.u32 $0x6000, s4;
	s5 =	sand.u32 $0x380, s5  }
0x88: {  	s7 =	sshll.u32 s2, $0x4;
	s11 =	sand.u32 $0x40, s6;
	s4 =	sor.u32 s4, s5  }
0x89: {  	v3 =	vld [tilespmem:s7+$0x100];
	s6 =	sand.u32 $0x1C00, s6;
	s5 =	sor.u32 s11, s4  }
0x8a: {  	v4 =	vld [tilespmem:s7+$0x300];
	s5 =	sor.u32 s6, s5  }
0x8b: {  	v5 =	vld [tilespmem:s5+$0x8500]  }
0x8c: {  	v7 =	vld [tilespmem:s5+$0x8510]  }
0x8d: {  	v8 =	vld [tilespmem:s5+$0x8520]  }
0x8e: {  	v6 =	vld [tilespmem:s5+$0x500]  }
0x8f: {  	v9 =	vld [tilespmem:s5+$0x8530]  }
0x90: {  	v10 =	vld [tilespmem:s5+$0x510]  }
0x91: {  	s13 =	simm.s32 $0x40;
	v11 =	vld [tilespmem:s5+$0x520]  }
0x92: {  	s7 =	simm.s32 $0x200;
	s6 =	sand.u32 $0x40, s13;
	v12 =	vld [tilespmem:s5+$0x530]  }
0x93: {  	s11 =	sand.u32 $0x1C00, s7;
	s6 =	sor.u32 s6, s4  }
0x94: {  	s6 =	sor.u32 s11, s6;
	v13 =	vmul.f32 v6, v3;
	v14 =	vmul.f32 v5, v4  }
0x95: {  	v6 =	vld [tilespmem:s6+$0x8500];
	v10 =	vmul.f32 v10, v3;
	v15 =	vmul.f32 v7, v4  }
0x96: {  	v5 =	vld [tilespmem:s6+$0x8510];
	v11 =	vmul.f32 v11, v3;
	v63 =	vmul.f32 v8, v4;
	v13 =	vadd.f32 v14, v13  }
0x97: {  	v7 =	vld [tilespmem:s6+$0x8520];
	v12 =	vmul.f32 v12, v3;
	v16 =	vmul.f32 v9, v4;
	v15 =	vadd.f32 v15, v10  }
0x98: {  	v8 =	vld [tilespmem:s6+$0x8530];
	v10 =	vadd.f32 v63, v11;
	[tilespmem:s5+$0x500] =	vst v13  }
0x99: {  	s11 =	simm.s32 $0x80;
	v11 =	vadd.f32 v16, v12;
	v9 =	vld [tilespmem:s6+$0x500];
	[tilespmem:s5+$0x510] =	vst v15  }
.LBB2_3:
0x9a: {  	p0 =	sne.s32 s11, $0x3C0;
	v12 =	vld [tilespmem:s6+$0x510];
	[tilespmem:s5+$0x520] =	vst v10  }
0x9b: {  	v10 =	vld [tilespmem:s6+$0x520];
	[tilespmem:s5+$0x530] =	vst v11;
	s5 =	smov.u32 s6  }
0x9c: {  	s7 =	sadd.s32 $0x200, s7;
	s6 =	sand.u32 $0x40, s11;
	v11 =	vld [tilespmem:s5+$0x530]  }
0x9d: {  	s13 =	sand.u32 $0x1C00, s7;
	s6 =	sor.u32 s6, s4  }
0x9e: {  	v13 =	vmul.f32 v6, v4;
	s6 =	sor.u32 s13, s6;
	v9 =	vmul.f32 v9, v3  }
.Ltmp0:
0x9f: {  	v14 =	vmul.f32 v5, v4;
	v6 =	vld [tilespmem:s6+$0x8500];
	v12 =	vmul.f32 v12, v3;
	(pc) =	sbr.rel @p0 .LBB2_3-.Ltmp0, $4  }
0xa0: {  	v5 =	vld [tilespmem:s6+$0x8510];
	v9 =	vadd.f32 v13, v9;
	v10 =	vmul.f32 v10, v3;
	v13 =	vmul.f32 v7, v4  }
0xa1: {  	v7 =	vld [tilespmem:s6+$0x8520];
	v12 =	vadd.f32 v14, v12;
	v11 =	vmul.f32 v11, v3;
	v14 =	vmul.f32 v8, v4  }
0xa2: {  	v8 =	vld [tilespmem:s6+$0x8530];
	[tilespmem:s5+$0x500] =	vst v9;
	v10 =	vadd.f32 v13, v10  }
0xa3: {  	s11 =	sadd.s32 $0x40, s11;
	v9 =	vld [tilespmem:s6+$0x500];
	[tilespmem:s5+$0x510] =	vst v12;
	v11 =	vadd.f32 v14, v11  }
0xa4: {  	v12 =	vld [tilespmem:s6+$0x510];
	[tilespmem:s5+$0x520] =	vst v10  }
0xa5: {  	v10 =	vld [tilespmem:s6+$0x520];
	[tilespmem:s5+$0x530] =	vst v11  }
0xa6: {  	v11 =	vld [tilespmem:s6+$0x530];
	_ =	sdelay $0x1  }
0xa7: {  	v6 =	vmul.f32 v6, v4;
	v9 =	vmul.f32 v9, v3  }
0xa8: {  	s2 =	sadd.s32 $0x1, s2;
	v5 =	vmul.f32 v5, v4;
	v12 =	vmul.f32 v12, v3  }
0xa9: {  	p0 =	sne.s32 s2, $0x20;
	v7 =	vmul.f32 v7, v4;
	v6 =	vadd.f32 v6, v9;
	v61 =	vmul.f32 v10, v3  }
.Ltmp1:
0xaa: {  	v62 =	vmul.f32 v8, v4;
	v5 =	vadd.f32 v5, v12;
	v3 =	vmul.f32 v11, v3;
	(pc) =	sbr.rel @p0 .LBB2_2-.Ltmp1, $4  }
0xab: {  	[tilespmem:s6+$0x500] =	vst v6;
	v63 =	vadd.f32 v7, v61  }
0xac: {  	[tilespmem:s6+$0x510] =	vst v5;
	v3 =	vadd.f32 v62, v3  }
0xad: {  	[tilespmem:s6+$0x520] =	vst v63  }
0xae: {  	[tilespmem:s6+$0x530] =	vst v3  }
0xaf: {  	s2 =	simm.s32 $0x0;
	s4 =	rddreg [dreg:$0x7]  }
0xb0: {  	[hbm4b:s4+s2] =	stream.linear.scatter [tilespmem:s22], [sflag:$0x2], $0x8000, $0x38;
	[tilespmem:$0x10500] =	vst v63  }
0xb1: {  	_ =	swait.ge [sflag:s18], $0x8000  }
0xb2: {  	[sflag:s18] =	ssyncset.done $0x0  }
0xb3: {  	s6 =	rddreg [dreg:$0x8];
	[sflag:s18] =	ssyncadd.s32 $0xFFFF8000  }
0xb4: {  	[tilespmem:s2], [sflag:$0x2] =	stream.linear.gather [hbm4b:s6+s2], $0x20, $0x38;
	[tilespmem:$0x10500] =	vst v63  }
0xb5: {  	_ =	swait.ge [sflag:s18], $0x20  }
0xb6: {  	[sflag:s18] =	ssyncset.done $0x0  }
0xb7: {  	s7 =	rddreg [dreg:$0x9];
	[sflag:s18] =	ssyncadd.s32 $0xFFFFFFE0  }
0xb8: {  	[tilespmem:s19], [sflag:$0x2] =	stream.linear.gather [hbm4b:s7+s2], $0x20, $0x38;
	[tilespmem:$0x10500] =	vst v63  }
0xb9: {  	_ =	swait.ge [sflag:s18], $0x20  }
0xba: {  	[sflag:s18] =	ssyncset.done $0x0  }
0xbb: {  	s5 =	simm.s32 $0x100;
	s11 =	rddreg [dreg:$0xa];
	[sflag:s18] =	ssyncadd.s32 $0xFFFFFFE0  }
0xbc: {  	[tilespmem:s5], [sflag:$0x2] =	stream.linear.gather [hbm4b:s11+s2], $0x200, $0x38;
	[tilespmem:$0x10500] =	vst v63  }
0xbd: {  	_ =	swait.ge [sflag:s18], $0x200  }
0xbe: {  	[sflag:s18] =	ssyncset.done $0x0  }
0xbf: {  	s19 =	simm.s32 $0x300;
	s13 =	rddreg [dreg:$0xb];
	[sflag:s18] =	ssyncadd.s32 $0xFFFFFE00  }
0xc0: {  	[tilespmem:s19], [sflag:$0x2] =	stream.linear.gather [hbm4b:s13+s2], $0x200, $0x38;
	[tilespmem:$0x10500] =	vst v63  }
0xc1: {  	_ =	swait.ge [sflag:s18], $0x200  }
0xc2: {  	[sflag:s18] =	ssyncset.done $0x0  }
0xc3: {  	[sflag:s18] =	ssyncadd.s32 $0xFFFFFE00  }
0xc4: {  	v3 =	vld [tilespmem:$0x0];
	_ =	sdelay $0x4  }
0xc5: {  	v4 =	vshll.u32 v3, $0x3  }
0xc6: {  	v3 =	vand.u32 $0x7, v3;
	v4 =	vand.u32 $0xFFFFFFC0, v4  }
0xc7: {  	v3 =	vor.u32 v3, v4  }
0xc8: {  	v4 =	vperm.xlane v3, v0;
	_ =	sdelay $0x1  }
0xc9: {  	v4 =	vadd.s32 v1, v4;
	_ =	sdelay $0x4  }
0xca: {  	[tilespmem:s22], [sflag:$0x1] =	stream.indirect_vreg.gather [hbm4b:s3+s2], $0x80, v4, vm0, $0xb8;
	[tilespmem:$0x10500] =	vst v63  }
0xcb: {  	s6 =	simm.s32 $0xD00;
	v3 =	vperm.xlane v3, v2  }
0xcc: {  	[tilespmem:s6], [sflag:$0x1] =	stream.indirect_vreg.gather [hbm4b:s8+s2], $0x80, v4, vm0, $0xb8;
	[tilespmem:$0x10500] =	vst v63  }
0xcd: {  	s7 =	simm.s32 $0x1500;
	v3 =	vadd.s32 v1, v3  }
0xce: {  	[tilespmem:s7], [sflag:$0x1] =	stream.indirect_vreg.gather [hbm4b:s9+s2], $0x80, v4, vm0, $0xb8;
	[tilespmem:$0x10500] =	vst v63  }
0xcf: {  	s11 =	simm.s32 $0x1D00  }
0xd0: {  	[tilespmem:s11], [sflag:$0x1] =	stream.indirect_vreg.gather [hbm4b:s10+s2], $0x80, v4, vm0, $0xb8;
	[tilespmem:$0x10500] =	vst v63  }
0xd1: {  	s13 =	simm.s32 $0x2500  }
0xd2: {  	[tilespmem:s13], [sflag:$0x1] =	stream.indirect_vreg.gather [hbm4b:s3+s2], $0x80, v3, vm0, $0xb8;
	[tilespmem:$0x10500] =	vst v63  }
0xd3: {  	s19 =	simm.s32 $0x2D00  }
0xd4: {  	[tilespmem:s19], [sflag:$0x1] =	stream.indirect_vreg.gather [hbm4b:s8+s2], $0x80, v3, vm0, $0xb8;
	[tilespmem:$0x10500] =	vst v63  }
0xd5: {  	s5 =	simm.s32 $0x3500  }
0xd6: {  	[tilespmem:s5], [sflag:$0x1] =	stream.indirect_vreg.gather [hbm4b:s9+s2], $0x80, v3, vm0, $0xb8;
	[tilespmem:$0x10500] =	vst v63  }
0xd7: {  	s6 =	simm.s32 $0x3D00  }
0xd8: {  	[tilespmem:s6], [sflag:$0x1] =	stream.indirect_vreg.gather [hbm4b:s10+s2], $0x80, v3, vm0, $0xb8;
	[tilespmem:$0x10500] =	vst v63  }
0xd9: {  	v3 =	vld [tilespmem:$0x10];
	_ =	sdelay $0x4  }
0xda: {  	v61 =	vshll.u32 v3, $0x3  }
0xdb: {  	v3 =	vand.u32 $0x7, v3;
	v4 =	vand.u32 $0xFFFFFFC0, v61  }
0xdc: {  	v3 =	vor.u32 v3, v4  }
0xdd: {  	v4 =	vperm.xlane v3, v0;
	_ =	sdelay $0x1  }
0xde: {  	v4 =	vadd.s32 v1, v4;
	_ =	sdelay $0x3  }
0xdf: {  	s7 =	simm.s32 $0x4500  }
0xe0: {  	[tilespmem:s7], [sflag:$0x1] =	stream.indirect_vreg.gather [hbm4b:s3+s2], $0x80, v4, vm0, $0xb8;
	[tilespmem:$0x10500] =	vst v63  }
0xe1: {  	s11 =	simm.s32 $0x4D00;
	v3 =	vperm.xlane v3, v2  }
0xe2: {  	[tilespmem:s11], [sflag:$0x1] =	stream.indirect_vreg.gather [hbm4b:s8+s2], $0x80, v4, vm0, $0xb8;
	[tilespmem:$0x10500] =	vst v63  }
0xe3: {  	s13 =	simm.s32 $0x5500;
	v3 =	vadd.s32 v1, v3  }
0xe4: {  	[tilespmem:s13], [sflag:$0x1] =	stream.indirect_vreg.gather [hbm4b:s9+s2], $0x80, v4, vm0, $0xb8;
	[tilespmem:$0x10500] =	vst v63  }
0xe5: {  	s19 =	simm.s32 $0x5D00  }
0xe6: {  	[tilespmem:s19], [sflag:$0x1] =	stream.indirect_vreg.gather [hbm4b:s10+s2], $0x80, v4, vm0, $0xb8;
	[tilespmem:$0x10500] =	vst v63  }
0xe7: {  	s5 =	simm.s32 $0x6500  }
0xe8: {  	[tilespmem:s5], [sflag:$0x1] =	stream.indirect_vreg.gather [hbm4b:s3+s2], $0x80, v3, vm0, $0xb8;
	[tilespmem:$0x10500] =	vst v63  }
0xe9: {  	s6 =	simm.s32 $0x6D00  }
0xea: {  	[tilespmem:s6], [sflag:$0x1] =	stream.indirect_vreg.gather [hbm4b:s8+s2], $0x80, v3, vm0, $0xb8;
	[tilespmem:$0x10500] =	vst v63  }
0xeb: {  	s7 =	simm.s32 $0x7500  }
0xec: {  	[tilespmem:s7], [sflag:$0x1] =	stream.indirect_vreg.gather [hbm4b:s9+s2], $0x80, v3, vm0, $0xb8;
	[tilespmem:$0x10500] =	vst v63  }
0xed: {  	s11 =	simm.s32 $0x7D00  }
0xee: {  	[tilespmem:s11], [sflag:$0x1] =	stream.indirect_vreg.gather [hbm4b:s10+s2], $0x80, v3, vm0, $0xb8;
	[tilespmem:$0x10500] =	vst v63  }
0xef: {  	_ =	swait.ge [sflag:s12], $0x8000  }
0xf0: {  	[sflag:s12] =	ssyncset.done $0x0  }
0xf1: {  	[sflag:s12] =	ssyncadd.s32 $0xFFFF8000  }
0xf2: {  	v3 =	vld [tilespmem:$0x80];
	_ =	sdelay $0x4  }
0xf3: {  	v62 =	vshll.u32 v3, $0x3  }
0xf4: {  	v3 =	vand.u32 $0x7, v3;
	v4 =	vand.u32 $0xFFFFFFC0, v62  }
0xf5: {  	v3 =	vor.u32 v3, v4  }
0xf6: {  	v4 =	vperm.xlane v3, v0;
	_ =	sdelay $0x1  }
0xf7: {  	v4 =	vadd.s32 v1, v4;
	_ =	sdelay $0x3  }
0xf8: {  	s13 =	simm.s32 $0x8500  }
0xf9: {  	[tilespmem:s13], [sflag:$0x1] =	stream.indirect_vreg.gather [hbm4b:s3+s2], $0x80, v4, vm0, $0xb8;
	[tilespmem:$0x10500] =	vst v63  }
0xfa: {  	s19 =	simm.s32 $0x8D00;
	v3 =	vperm.xlane v3, v2  }
0xfb: {  	[tilespmem:s19], [sflag:$0x1] =	stream.indirect_vreg.gather [hbm4b:s8+s2], $0x80, v4, vm0, $0xb8;
	[tilespmem:$0x10500] =	vst v63  }
0xfc: {  	v3 =	vadd.s32 v1, v3  }
0xfd: {  	[tilespmem:s20], [sflag:$0x1] =	stream.indirect_vreg.gather [hbm4b:s9+s2], $0x80, v4, vm0, $0xb8;
	[tilespmem:$0x10500] =	vst v63  }
0xfe: {  	_ = 	snop  }
0xff: {  	[tilespmem:s21], [sflag:$0x1] =	stream.indirect_vreg.gather [hbm4b:s10+s2], $0x80, v4, vm0, $0xb8;
	[tilespmem:$0x10500] =	vst v63  }
0x100: {  	_ = 	snop  }
0x101: {  	[tilespmem:s14], [sflag:$0x1] =	stream.indirect_vreg.gather [hbm4b:s3+s2], $0x80, v3, vm0, $0xb8;
	[tilespmem:$0x10500] =	vst v63  }
0x102: {  	_ = 	snop  }
0x103: {  	[tilespmem:s15], [sflag:$0x1] =	stream.indirect_vreg.gather [hbm4b:s8+s2], $0x80, v3, vm0, $0xb8;
	[tilespmem:$0x10500] =	vst v63  }
0x104: {  	_ = 	snop  }
0x105: {  	[tilespmem:s23], [sflag:$0x1] =	stream.indirect_vreg.gather [hbm4b:s9+s2], $0x80, v3, vm0, $0xb8;
	[tilespmem:$0x10500] =	vst v63  }
0x106: {  	_ = 	snop  }
0x107: {  	[tilespmem:s16], [sflag:$0x1] =	stream.indirect_vreg.gather [hbm4b:s10+s2], $0x80, v3, vm0, $0xb8;
	[tilespmem:$0x10500] =	vst v63  }
0x108: {  	v3 =	vld [tilespmem:$0x90];
	_ =	sdelay $0x4  }
0x109: {  	v63 =	vshll.u32 v3, $0x3  }
0x10a: {  	v3 =	vand.u32 $0x7, v3;
	v4 =	vand.u32 $0xFFFFFFC0, v63  }
0x10b: {  	v3 =	vor.u32 v3, v4  }
0x10c: {  	v4 =	vperm.xlane v3, v0;
	_ =	sdelay $0x1  }
0x10d: {  	v4 =	vadd.s32 v1, v4;
	_ =	sdelay $0x4  }
0x10e: {  	[tilespmem:s24], [sflag:$0x1] =	stream.indirect_vreg.gather [hbm4b:s3+s2], $0x80, v4, vm0, $0xb8;
	[tilespmem:$0x10500] =	vst v63  }
0x10f: {  	v3 =	vperm.xlane v3, v2  }
0x110: {  	[tilespmem:s17], [sflag:$0x1] =	stream.indirect_vreg.gather [hbm4b:s8+s2], $0x80, v4, vm0, $0xb8;
	[tilespmem:$0x10500] =	vst v63  }
0x111: {  	v3 =	vadd.s32 v1, v3  }
0x112: {  	[tilespmem:s25], [sflag:$0x1] =	stream.indirect_vreg.gather [hbm4b:s9+s2], $0x80, v4, vm0, $0xb8;
	[tilespmem:$0x10500] =	vst v63  }
0x113: {  	_ = 	snop  }
0x114: {  	[tilespmem:s26], [sflag:$0x1] =	stream.indirect_vreg.gather [hbm4b:s10+s2], $0x80, v4, vm0, $0xb8;
	[tilespmem:$0x10500] =	vst v63  }
0x115: {  	_ = 	snop  }
0x116: {  	[tilespmem:s28], [sflag:$0x1] =	stream.indirect_vreg.gather [hbm4b:s3+s2], $0x80, v3, vm0, $0xb8;
	[tilespmem:$0x10500] =	vst v63  }
0x117: {  	_ = 	snop  }
0x118: {  	[tilespmem:s29], [sflag:$0x1] =	stream.indirect_vreg.gather [hbm4b:s8+s2], $0x80, v3, vm0, $0xb8;
	[tilespmem:$0x10500] =	vst v63  }
0x119: {  	_ = 	snop  }
0x11a: {  	[tilespmem:s30], [sflag:$0x1] =	stream.indirect_vreg.gather [hbm4b:s9+s2], $0x80, v3, vm0, $0xb8;
	[tilespmem:$0x10500] =	vst v63  }
0x11b: {  	_ = 	snop  }
0x11c: {  	[tilespmem:s31], [sflag:$0x1] =	stream.indirect_vreg.gather [hbm4b:s10+s2], $0x80, v3, vm0, $0xb8;
	[tilespmem:$0x10500] =	vst v63  }
0x11d: {  	_ =	swait.ge [sflag:s12], $0x8000  }
0x11e: {  	[sflag:s12] =	ssyncset.done $0x0  }
0x11f: {  	s4 =	simm.s32 $0x0;
	[sflag:s12] =	ssyncadd.s32 $0xFFFF8000  }
.LBB2_6:
0x120: {  	s5 =	sshll.u32 s4, $0xA;
	s6 =	sshll.u32 s4, $0x7  }
0x121: {  	s5 =	sand.u32 $0x6000, s5;
	s6 =	sand.u32 $0x380, s6  }
0x122: {  	s7 =	sshll.u32 s4, $0x4;
	s13 =	sand.u32 $0x40, s2;
	s5 =	sor.u32 s5, s6  }
0x123: {  	s11 =	sand.u32 $0x1C00, s2;
	v3 =	vld [tilespmem:s7+$0x100];
	s6 =	sor.u32 s13, s5  }
0x124: {  	v4 =	vld [tilespmem:s7+$0x300];
	s6 =	sor.u32 s11, s6  }
0x125: {  	v5 =	vld [tilespmem:s6+$0x8500]  }
0x126: {  	v7 =	vld [tilespmem:s6+$0x8510]  }
0x127: {  	v8 =	vld [tilespmem:s6+$0x8520]  }
0x128: {  	v6 =	vld [tilespmem:s6+$0x500]  }
0x129: {  	v9 =	vld [tilespmem:s6+$0x8530]  }
0x12a: {  	v10 =	vld [tilespmem:s6+$0x510]  }
0x12b: {  	s19 =	simm.s32 $0x40;
	v11 =	vld [tilespmem:s6+$0x520]  }
0x12c: {  	s7 =	sand.u32 $0x40, s19;
	s11 =	simm.s32 $0x200;
	v12 =	vld [tilespmem:s6+$0x530]  }
0x12d: {  	s7 =	sor.u32 s7, s5;
	s13 =	sand.u32 $0x1C00, s11  }
0x12e: {  	s7 =	sor.u32 s13, s7;
	v13 =	vmul.f32 v6, v3;
	v14 =	vmul.f32 v5, v4  }
0x12f: {  	v6 =	vld [tilespmem:s7+$0x8500];
	v10 =	vmul.f32 v10, v3;
	v15 =	vmul.f32 v7, v4  }
0x130: {  	v5 =	vld [tilespmem:s7+$0x8510];
	v11 =	vmul.f32 v11, v3;
	v63 =	vmul.f32 v8, v4;
	v13 =	vadd.f32 v14, v13  }
0x131: {  	v7 =	vld [tilespmem:s7+$0x8520];
	v12 =	vmul.f32 v12, v3;
	v16 =	vmul.f32 v9, v4;
	v15 =	vadd.f32 v15, v10  }
0x132: {  	v8 =	vld [tilespmem:s7+$0x8530];
	v10 =	vadd.f32 v63, v11;
	[tilespmem:s6+$0x500] =	vst v13  }
0x133: {  	s13 =	simm.s32 $0x80;
	v11 =	vadd.f32 v16, v12;
	v9 =	vld [tilespmem:s7+$0x500];
	[tilespmem:s6+$0x510] =	vst v15  }
.LBB2_7:
0x134: {  	p0 =	sne.s32 s13, $0x3C0;
	v12 =	vld [tilespmem:s7+$0x510];
	[tilespmem:s6+$0x520] =	vst v10  }
0x135: {  	v10 =	vld [tilespmem:s7+$0x520];
	[tilespmem:s6+$0x530] =	vst v11;
	s6 =	smov.u32 s7  }
0x136: {  	s11 =	sadd.s32 $0x200, s11;
	s7 =	sand.u32 $0x40, s13;
	v11 =	vld [tilespmem:s6+$0x530]  }
0x137: {  	s19 =	sand.u32 $0x1C00, s11;
	s7 =	sor.u32 s7, s5  }
0x138: {  	v13 =	vmul.f32 v6, v4;
	s7 =	sor.u32 s19, s7;
	v9 =	vmul.f32 v9, v3  }
.Ltmp2:
0x139: {  	v14 =	vmul.f32 v5, v4;
	v6 =	vld [tilespmem:s7+$0x8500];
	v12 =	vmul.f32 v12, v3;
	(pc) =	sbr.rel @p0 .LBB2_7-.Ltmp2, $4  }
0x13a: {  	v5 =	vld [tilespmem:s7+$0x8510];
	v9 =	vadd.f32 v13, v9;
	v10 =	vmul.f32 v10, v3;
	v13 =	vmul.f32 v7, v4  }
0x13b: {  	v7 =	vld [tilespmem:s7+$0x8520];
	v12 =	vadd.f32 v14, v12;
	v11 =	vmul.f32 v11, v3;
	v14 =	vmul.f32 v8, v4  }
0x13c: {  	v8 =	vld [tilespmem:s7+$0x8530];
	[tilespmem:s6+$0x500] =	vst v9;
	v10 =	vadd.f32 v13, v10  }
0x13d: {  	s13 =	sadd.s32 $0x40, s13;
	v9 =	vld [tilespmem:s7+$0x500];
	[tilespmem:s6+$0x510] =	vst v12;
	v11 =	vadd.f32 v14, v11  }
0x13e: {  	v12 =	vld [tilespmem:s7+$0x510];
	[tilespmem:s6+$0x520] =	vst v10  }
0x13f: {  	v10 =	vld [tilespmem:s7+$0x520];
	[tilespmem:s6+$0x530] =	vst v11  }
0x140: {  	v11 =	vld [tilespmem:s7+$0x530];
	_ =	sdelay $0x1  }
0x141: {  	v6 =	vmul.f32 v6, v4;
	v9 =	vmul.f32 v9, v3  }
0x142: {  	s4 =	sadd.s32 $0x1, s4;
	v5 =	vmul.f32 v5, v4;
	v12 =	vmul.f32 v12, v3  }
0x143: {  	p0 =	sne.s32 s4, $0x20;
	v7 =	vmul.f32 v7, v4;
	v6 =	vadd.f32 v6, v9;
	v61 =	vmul.f32 v10, v3  }
.Ltmp3:
0x144: {  	v62 =	vmul.f32 v8, v4;
	v5 =	vadd.f32 v5, v12;
	v3 =	vmul.f32 v11, v3;
	(pc) =	sbr.rel @p0 .LBB2_6-.Ltmp3, $4  }
0x145: {  	[tilespmem:s7+$0x500] =	vst v6;
	v63 =	vadd.f32 v7, v61  }
0x146: {  	[tilespmem:s7+$0x510] =	vst v5;
	v3 =	vadd.f32 v62, v3  }
0x147: {  	[tilespmem:s7+$0x520] =	vst v63  }
0x148: {  	[tilespmem:s7+$0x530] =	vst v3  }
0x149: {  	s2 =	rddreg [dreg:$0xc]  }
0x14a: {  	[hbm4b:s2+s1] =	stream.linear.scatter [tilespmem:s22], [sflag:$0x2], $0x8000, $0x38;
	[tilespmem:$0x10500] =	vst v63  }
0x14b: {  	_ =	swait.ge [sflag:s18], $0x8000  }
0x14c: {  	s0 =	sadd.s32 $0x1, s0;
	s19 =	rddreg [dreg:$0xd]  }
0x14d: {  	p0 =	sne.s32 s0, s19  }
.Ltmp4:
0x14e: {  	_ = 	snop;
	(pc) =	sbr.rel @p0 .LBB2_1-.Ltmp4, $3  }
0x14f: {  	_ =	sdelay $0x1  }
0x150: {  	[sflag:s18] =	ssyncset.done $0x0  }
0x151: {  	[sflag:s18] =	ssyncadd.s32 $0xFFFF8000;
	s19 =	simm.s32 $0x80  }
0x152: {  	_ =	sfence.sel $0x180000  }
0x153: {  	[bflag:$0x0] =	sbarrier.arrive $0xFFFF  }
0x154: {  	_ =	strace $0x9000004D  }
0x155: {  	s0 =	stileid.u32;
	[bflag:$0x2] =	sbarrier.arrive $0xFFFF  }
0x156: {  	p0 =	sne.s32 s0, $0x0;
	s0 =	rddreg [dreg:$0x2]  }
0x157: {  	s0 =	sadd.s32 @!p0 $0x100000, s0  }
0x158: {  	[sflag:s0] =	ssyncadd.tile.s32 @!p0 $0x1;
	_ =	shalt  }
.Lfunc_end2:
_tile_overlayer_lowered:
.L_overlay_start_2:
0x159: {  	(tag) =	ssettag $0x2  }
0x15a: {  	s0 =	rddreg [dreg:$0x0];
	s2 =	stileid.u32  }
0x15b: {  	s1 =	rddreg [dreg:$0x1];
	p0 =	sne.s32 s2, $0x0  }
0x15c: {  	s3 =	rddreg [dreg:$0x2];
	[bflag:$0x3] =	sbarrier.arrive $0xFFFF;
	s2 =	simm.s32 @!p0 $0x1C02  }
0x15d: {  	[timem:s3], [sflag:s2] =	dma.local @!p0 [hbm:s0], s1  }
0x15e: {  	s0 =	simm.s32 @!p0 $0x2  }
0x15f: {  	_ =	swait.ge @!p0 [sflag:s0], s1  }
0x160: {  	s1 =	ssub.s32 @!p0 $0x0, s1;
	[sflag:s0] =	ssyncset.done @!p0 $0x0  }
0x161: {  	[sflag:s0] =	ssyncadd.s32 @!p0 s1  }
0x162: {  	[bflag:$0x3] =	sbarrier.arrive $0xFFFF  }
0x163: {  	_ =	shalt  }

// kernel: kernel.7.cloned.1.call-start
scs
__scs_entry_jumppad:
0x0: {  	(pc) =	sbr.rel $0x88, $3  }
0x1: {  	(tag) =	ssettag $0x0;
	lr =	simm.s32 $0x1  }
0x2: {  	[smem:$0x3F9A] =	sst lr;
	_ =	strace $0xD0000000  }
0x3: {  	_ = 	snop  }
0x4: {  	_ = 	snop  }
0x5: {  	_ = 	snop  }
0x6: {  	_ = 	snop  }
0x7: {  	_ = 	snop  }
__scs_overlays_trampoline_lowered:
0x8: {  	[smem:$0x3FA9] =	sst s0  }
0x9: {  	[smem:$0x3FAA] =	sst s1  }
0xa: {  	[smem:$0x3FAB] =	sst s2  }
0xb: {  	[smem:$0x3FAC] =	sst s3  }
0xc: {  	[smem:$0x3FAD] =	sst s4  }
0xd: {  	[smem:$0x3FAE] =	sst s5  }
0xe: {  	[smem:$0x3FAF] =	sst s6  }
0xf: {  	[smem:$0x3FB0] =	sst s7  }
0x10: {  	[smem:$0x3FB1] =	sst s8  }
0x11: {  	[smem:$0x3FB2] =	sst s9;
	s0 =	simm.s32 @!p0 $0x0  }
0x12: {  	s1 =	sld [smem:$0x3F98];
	s0 =	simm.s32 @p0 $0x1  }
0x13: {  	[smem:$0x3FB3] =	sst s0;
	s0 =	simm.s32 @!p1 $0x0  }
0x14: {  	s2 =	sld [smem:$0x3F97];
	s0 =	simm.s32 @p1 $0x1  }
0x15: {  	[smem:$0x3FB4] =	sst s0;
	s0 =	simm.s32 @!p2 $0x0  }
0x16: {  	s3 =	sld [smem:$0x3FDB];
	s0 =	simm.s32 @p2 $0x1  }
0x17: {  	s4 =	simm.s32 $0x1BF5;
	[smem:$0x3FB6] =	sst s0  }
0x18: {  	s0 =	sld [smem:$0x3F99];
	_ =	swait.ge [sflag:s4], $0x0  }
0x19: {  	s7 =	sld [smem:$0x3F9A]  }
0x1a: {  	s8 =	sadd.s32 $0xFFFFE003, lr  }
0x1b: {  	s9 =	sadd.s32 $0xFFFFFEF7, lr;
	s5 =	simm.s32 $0xFFFFFFFF;
	p2 =	slt.u32 s8, $0xFFFFF086  }
0x1c: {  	p1 =	slt.u32 s9, $0xF7A;
	s5 =	simm.s32 @!p2 $0x0  }
0x1d: {  	s5 =	simm.s32 @p1 $0x1;
	p0 =	seq.s32 s7, s2  }
0x1e: {  	s7 =	smul.u32 @!p0 $0xF7A, s2;
	p2 =	seq.s32 @!p0 s5, $0x0  }
0x1f: {  	s9 =	smul.u32 $0xF7A, s1;
	s8 =	simm.s32 @!p0 $0x1BF5;
	p2 =	por !p2, p0  }
0x20: {  	[sflag:s8] =	ssyncset.s32 @!p0 $0xFFFFF086;
	s6 =	sadd.s32 @!p0 s3, s7;
	s7 =	simm.s32 @!p0 $0x108  }
0x21: {  	s3 =	sadd.s32 s3, s9;
	s6 =	sadd.s32 @!p0 $0x88, s6;
	s7 =	simm.s32 @p2 $0x1082  }
0x22: {  	[simem:s7], [sflag:s8] =	dma.local @!p0 [hbm:s6], $0xF7A  }
0x23: {  	s9 =	sor.u32 $0xD0000000, s2;
	s6 =	simm.s32 $0x108;
	_ =	swait.ge @!p0 [sflag:s8], $0x0  }
0x24: {  	s3 =	sadd.s32 $0x88, s3;
	s6 =	simm.s32 @!p1 $0x1082;
	[sflag:s4] =	ssyncset.s32 $0xFFFFF086  }
0x25: {  	[simem:s6], [sflag:s4] =	dma.local [hbm:s3], $0xF7A  }
0x26: {  	[smem:$0x3F9A] =	sst s1;
	(tag) =	ssettag s2;
	_ =	strace s9  }
0x27: {  	s1 =	sld [smem:$0x3FAA]  }
0x28: {  	s2 =	sld [smem:$0x3FAB]  }
0x29: {  	s4 =	sld [smem:$0x3FAD]  }
0x2a: {  	p0 =	seq.s32 s5, $0x0;
	s5 =	sld [smem:$0x3FAE]  }
0x2b: {  	s6 =	sld [smem:$0x3FAF]  }
0x2c: {  	s7 =	sld [smem:$0x3FB0]  }
0x2d: {  	s3 =	simm.s32 $0x108;
	s8 =	sld [smem:$0x3FB1]  }
0x2e: {  	s3 =	simm.s32 @!p0 $0x1082;
	s9 =	sld [smem:$0x3FB2]  }
0x2f: {  	lr =	sadd.s32 s0, s3;
	s0 =	sld [smem:$0x3FA9]  }
0x30: {  	s3 =	sld [smem:$0x3FAC]  }
0x31: {  	[smem:$0x3FB5] =	sst s10  }
0x32: {  	s10 =	sld [smem:$0x3FB3];
	_ =	sdelay $0x3  }
0x33: {  	p0 =	seq.s32 s10, $0x1;
	s10 =	sld [smem:$0x3FB5];
	_ =	sdelay $0x3  }
0x34: {  	[smem:$0x3FB5] =	sst s10  }
0x35: {  	s10 =	sld [smem:$0x3FB4];
	_ =	sdelay $0x3  }
0x36: {  	p1 =	seq.s32 s10, $0x1;
	s10 =	sld [smem:$0x3FB5];
	_ =	sdelay $0x3  }
0x37: {  	[smem:$0x3FB5] =	sst s10  }
0x38: {  	s10 =	sld [smem:$0x3FB6]  }
0x39: {  	_ = 	snop;
	(pc) =	sbr.ind lr, $3  }
0x3a: {  	_ = 	snop  }
0x3b: {  	_ = 	snop  }
0x3c: {  	p2 =	seq.s32 s10, $0x1;
	s10 =	sld [smem:$0x3FB5]  }
0x3d: {  	_ =	shalt  }
0x3e: {  	_ =	shalt  }
0x3f: {  	_ =	shalt  }
0x40: {  	_ =	shalt  }
0x41: {  	_ =	shalt  }
0x42: {  	_ =	shalt  }
0x43: {  	_ =	shalt  }
0x44: {  	_ =	shalt  }
0x45: {  	_ =	shalt  }
0x46: {  	_ =	shalt  }
0x47: {  	_ =	shalt  }
0x48: {  	_ =	shalt  }
0x49: {  	_ =	shalt  }
0x4a: {  	_ =	shalt  }
0x4b: {  	_ =	shalt  }
0x4c: {  	_ =	shalt  }
0x4d: {  	_ =	shalt  }
0x4e: {  	_ =	shalt  }
0x4f: {  	_ =	shalt  }
0x50: {  	_ =	shalt  }
0x51: {  	_ =	shalt  }
0x52: {  	_ =	shalt  }
0x53: {  	_ =	shalt  }
0x54: {  	_ =	shalt  }
0x55: {  	_ =	shalt  }
0x56: {  	_ =	shalt  }
0x57: {  	_ =	shalt  }
0x58: {  	_ =	shalt  }
0x59: {  	_ =	shalt  }
0x5a: {  	_ =	shalt  }
0x5b: {  	_ =	shalt  }
0x5c: {  	_ =	shalt  }
0x5d: {  	_ =	shalt  }
0x5e: {  	_ =	shalt  }
0x5f: {  	_ =	shalt  }
0x60: {  	_ =	shalt  }
0x61: {  	_ =	shalt  }
0x62: {  	_ =	shalt  }
0x63: {  	_ =	shalt  }
0x64: {  	_ =	shalt  }
0x65: {  	_ =	shalt  }
0x66: {  	_ =	shalt  }
0x67: {  	_ =	shalt  }
0x68: {  	_ =	shalt  }
0x69: {  	_ =	shalt  }
0x6a: {  	_ =	shalt  }
0x6b: {  	_ =	shalt  }
0x6c: {  	_ =	shalt  }
0x6d: {  	_ =	shalt  }
0x6e: {  	_ =	shalt  }
0x6f: {  	_ =	shalt  }
0x70: {  	_ =	shalt  }
0x71: {  	_ =	shalt  }
0x72: {  	_ =	shalt  }
0x73: {  	_ =	shalt  }
0x74: {  	_ =	shalt  }
0x75: {  	_ =	shalt  }
0x76: {  	_ =	shalt  }
0x77: {  	_ =	shalt  }
0x78: {  	_ =	shalt  }
0x79: {  	_ =	shalt  }
0x7a: {  	_ =	shalt  }
0x7b: {  	_ =	shalt  }
0x7c: {  	_ =	shalt  }
0x7d: {  	_ =	shalt  }
0x7e: {  	_ =	shalt  }
0x7f: {  	_ =	shalt  }
0x80: {  	_ =	shalt  }
0x81: {  	_ =	shalt  }
0x82: {  	_ =	shalt  }
0x83: {  	_ =	shalt  }
0x84: {  	_ =	shalt  }
0x85: {  	_ =	shalt  }
0x86: {  	_ =	shalt  }
0x87: {  	_ =	shalt  }
.Lfunc_end0:
.L_simem_size_0:
called_computation_lowered:
.L_overlay_start_0:
0x88: {  	s2 =	sld [smem:$0x3FD9]  }
0x89: {  	s3 =	sld [smem:$0x3FFE];
	_ =	sdelay $0x1  }
0x8a: {  	s1 =	srdreg.scid  }
0x8b: {  	s0 =	sand.u32 $0x1, s1  }
0x8c: {  	s14 =	sshll.u32 s0, $0xA;
	s2 =	sadd.s32 s3, s2  }
0x8d: {  	s2 =	sadd.s32 s2, s14  }
0x8e: {  	[smem:$0x3FC1] =	sst s2  }
0x8f: {  	_ = 	snop  }
0x90: {  	s2 =	sld [smem:$0x3FD0];
	_ =	sdelay $0x2  }
0x91: {  	s15 =	simm.s32 $0xA;
	s4 =	simm.s32 $0x10  }
0x92: {  	[smem:s4], [sflag:s15] =	dma.local [hbm:s2], $0x1  }
0x93: {  	_ =	swait.eq [sflag:s15], $0x1  }
0x94: {  	[sflag:s15] =	ssyncset.done $0x0  }
0x95: {  	[sflag:s15] =	ssyncadd.s32 $0xFFFFFFFF  }
0x96: {  	s16 =	sld [smem:$0x10];
	(tm) =	ssettm $0x1  }
0x97: {  	s17 =	sld [smem:$0x3FFB];
	_ =	sdelay $0x3  }
0x98: {  	_ =	strace s17  }
0x99: {  	s3 =	sld [smem:$0x3FFC];
	_ =	sdelay $0x3  }
0x9a: {  	_ =	strace s3  }
0x9b: {  	s3 =	sld [smem:$0x3FFD];
	_ =	sdelay $0x3  }
0x9c: {  	_ =	strace s3  }
0x9d: {  	_ =	strace $0x8FFFFFFF  }
0x9e: {  	s18 =	sld [smem:$0x3FDB];
	_ =	sdelay $0x1  }
0x9f: {  	s19 =	simm.s32 $_scs_section_size  }
0xa0: {  	s5 =	simm.s32 $_size__tile_overlayer_lowered;
	s6 =	simm.s32 $_tile_overlayer_lowered  }
0xa1: {  	s22 =	simm.s32 $0x1BFF;
	s21 =	sshll.u32 s6, $0x1;
	s3 =	sadd.s32 s19, s18  }
0xa2: {  	s7 =	simm.s32 $0x0;
	s20 =	sshll.u32 s5, $0x1;
	s5 =	sadd.s32 s21, s3  }
0xa3: {  	[timem:s7], [sflag:s22] =	dma.local [hbm:s5], s20  }
0xa4: {  	_ =	swait.ge [sflag:s22], s20  }
0xa5: {  	s4 =	ssub.s32 $0x0, s20;
	[sflag:s22] =	ssyncset.done $0x0  }
0xa6: {  	[sflag:s22] =	ssyncadd.s32 s4;
	_ =	sdelay $0x1  }
0xa7: {  	s23 =	simm.s32 $0x1B8B  }
0xa8: {  	_ =	swait.ge [sflag:s23], $0x1  }
0xa9: {  	[sflag:s23] =	ssyncset.done $0x0  }
0xaa: {  	s25 =	simm.s32 $0x1B8E;
	s24 =	sld [smem:$0x3FFE];
	[sflag:s23] =	ssyncadd.s32 $0xFFFFFFFF  }
0xab: {  	s26 =	simm.s32 $execute0_lowered;
	[smem:$0x3FD2] =	sst s25  }
0xac: {  	s5 =	sshll.u32 s26, $0x1;
	_ =	strace $0x80000046;
	[dreg:$0x1] =	wrdreg $0xFFFFFFFF  }
0xad: {  	s28 =	simm.s32 $_size_execute0_lowered;
	s3 =	sadd.s32 s3, s5;
	[dreg:$0x0] =	wrdreg $0x0  }
0xae: {  	s5 =	sshll.u32 s28, $0x1;
	[dreg:$0x2] =	wrdreg s3  }
0xaf: {  	[dreg:$0x3] =	wrdreg s5  }
0xb0: {  	[dreg:$0x4] =	wrdreg $0xC0  }
0xb1: {  	_ =	task [dreg:s7], $0x5FFFF  }
0xb2: {  	[dreg:$0x1] =	wrdreg $0xFFFFFFFF  }
0xb3: {  	[dreg:$0x0] =	wrdreg $0x60  }
0xb4: {  	[dreg:$0x2] =	wrdreg s24  }
0xb5: {  	[dreg:$0x3] =	wrdreg s16  }
0xb6: {  	[dreg:$0x4] =	wrdreg $0x9  }
0xb7: {  	_ =	task.clear_ibuf [dreg:s7], $0x5FFFF;
	_ =	strace $0x90000046  }
0xb8: {  	s29 =	simm.s32 $0x9;
	_ =	strace $0x80000048  }
0xb9: {  	_ =	swait.ge [sflag:s29], $0x1  }
0xba: {  	[sflag:s29] =	ssyncadd.s32 $0xFFFFFFFF  }
0xbb: {  	_ =	strace $0x90000048  }
0xbc: {  	_ =	sfence  }
0xbd: {  	s30 =	sld [smem:$0x0];
	_ =	sdelay $0x2  }
0xbe: {  	s31 =	sshll.u32 s1, $0xD;
	s1 =	sshrl.u32 s1, $0x2  }
0xbf: {  	s3 =	sand.u32 $0x4000, s31;
	s1 =	sadd.s32 s1, s30  }
0xc0: {  	s0 =	sor.u32 s3, s0;
	s1 =	sshll.u32 s1, $0x11  }
0xc1: {  	s0 =	sor.u32 s1, s0  }
0xc2: {  	s0 =	sadd.s32 $0x8F2B, s0  }
0xc3: {  	[sflag:s0] =	ssyncadd.remote.s32 $0x1  }
0xc4: {  	_ =	sfence.sel $0xFFFF  }
0xc5: {  	[dreg:$0x0] =	wrdreg $0xFFFFFFFF;
	(pc) =	sbr.abs _section_cstart, $3  }
0xc6: {  	[dreg:$0x1] =	wrdreg $0xFFFFFFFF  }
0xc7: {  	_ =	task.clear_ibuf [dreg:s7], $0x2FFFF;
	_ =	strace $0x9FFFFFFF  }
0xc8: {  	(tm) =	ssettm $0x7FFFFFFF  }
0xc9: {  	_ =	shalt  }
tec
execute0_lowered:
.L_overlay_start_1:
0x0: {  	(tag) =	ssettag $0x1  }
0x1: {  	s0 =	srdreg.scid  }
0x2: {  	s4 =	sand.u32 $0x1, s0;
	s0 =	stileid.u32  }
0x3: {  	s5 =	sor.u32 s0, s4  }
0x4: {  	p0 =	sne.s32 s5, $0x0  }
.Ltmp0:
0x5: {  	_ = 	snop;
	(pc) =	sbr.rel @p0 .LBB2_7-.Ltmp0, $4  }
0x6: {  	_ = 	snop  }
0x7: {  	s2 =	rddreg [dreg:$0x0]  }
0x8: {  	s3 =	rddreg [dreg:$0x1]  }
0x9: {  	s1 =	rddreg [dreg:$0x2];
	_ =	strace $0x80000047  }
0xa: {  	s7 =	ssub.s32 $0x2, s4  }
0xb: {  	s4 =	sadd.s32 $0x200, s2;
	s5 =	sadd.s32 $0x400, s2;
	s6 =	sadd.s32 $0x600, s2  }
0xc: {  	s9 =	simm.s32 $0x1;
	s10 =	simm.s32 $0x800;
	s11 =	simm.s32 $0x1000  }
0xd: {  	s12 =	simm.s32 $0x1800;
	s13 =	simm.s32 $0x2000;
	s8 =	sshrl.u32 s7, $0x1  }
0xe: {  	v0 =	vimm.s32 $0x0;
	v1 =	vlaneseq.u32;
	s14 =	simm.s32 $0x0;
	s7 =	ssub.s32 s7, s8;
	s8 =	simm.s32 $0x0  }
.LBB2_2:
0xf: {  	[tilespmem:s8], [sflag:$0x1] =	stream.linear.gather [hbm4b:s2+s8], $0x800, $0x38;
	[tilespmem:$0x3000] =	vst v63  }
0x10: {  	_ =	swait.ge [sflag:s9], $0x800  }
0x11: {  	[sflag:s9] =	ssyncset.done $0x0  }
0x12: {  	[sflag:s9] =	ssyncadd.s32 $0xFFFFF800  }
0x13: {  	[tilespmem:s10], [sflag:$0x1] =	stream.linear.gather [hbm4b:s4+s8], $0x800, $0x38;
	[tilespmem:$0x3000] =	vst v63  }
0x14: {  	_ =	swait.ge [sflag:s9], $0x800  }
0x15: {  	[sflag:s9] =	ssyncset.done $0x0  }
0x16: {  	[sflag:s9] =	ssyncadd.s32 $0xFFFFF800  }
0x17: {  	[tilespmem:s11], [sflag:$0x1] =	stream.linear.gather [hbm4b:s5+s8], $0x800, $0x38;
	[tilespmem:$0x3000] =	vst v63  }
0x18: {  	_ =	swait.ge [sflag:s9], $0x800  }
0x19: {  	[sflag:s9] =	ssyncset.done $0x0  }
0x1a: {  	[sflag:s9] =	ssyncadd.s32 $0xFFFFF800  }
0x1b: {  	[tilespmem:s12], [sflag:$0x1] =	stream.linear.gather [hbm4b:s6+s8], $0x800, $0x38;
	[tilespmem:$0x3000] =	vst v63  }
0x1c: {  	_ =	swait.ge [sflag:s9], $0x800  }
0x1d: {  	[sflag:s9] =	ssyncset.done $0x0  }
0x1e: {  	s15 =	simm.s32 $0x0;
	[sflag:s9] =	ssyncadd.s32 $0xFFFFF800  }
.LBB2_3:
0x1f: {  	p0 =	sne.s32 s15, $0x3FC0  }
.Ltmp1:
0x20: {  	_ = 	snop;
	(pc) =	sbr.rel @p0 .LBB2_3-.Ltmp1, $3  }
0x21: {  	_ =	sdelay $0x1  }
0x22: {  	s16 =	sshra.s32 s15, $0x2  }
0x23: {  	s15 =	sadd.s32 $0x40, s15;
	[tilespmem:s16+$0x2000] =	vst v0  }
0x24: {  	s15 =	simm.s32 $0x0;
	s16 =	simm.s32 $0x1000  }
0x25: {  	s17 =	simm.s32 $0x800;
	s18 =	simm.s32 $0x1800;
	s19 =	simm.s32 $0x0  }
.LBB2_5:
0x26: {  	v2 =	vld [tilespmem:s16+$0x0];
	_ =	sdelay $0x2  }
0x27: {  	v3 =	vld [tilespmem:s15+$0x0];
	_ =	sdelay $0x1  }
0x28: {  	vm0 =	veq.s32 v2, $0x1;
	_ =	sdelay $0x4  }
0x29: {  	v2 =	vor.u32 s19, v1  }
0x2a: {  	[tilespmem:v3+s13+$0x0] =	vst.idx.msk vm0, v2  }
0x2b: {  	v3 =	vld [tilespmem:s18+$0x0];
	_ =	sdelay $0x2  }
0x2c: {  	v4 =	vld [tilespmem:s17+$0x0];
	_ =	sdelay $0x1  }
0x2d: {  	vm15 =	veq.s32 v3, $0x1  }
0x2e: {  	p0 =	sne.s32 s19, $0x7F0  }
.Ltmp2:
0x2f: {  	_ = 	snop;
	(pc) =	sbr.rel @p0 .LBB2_5-.Ltmp2, $3  }
0x30: {  	_ =	sdelay $0x1  }
0x31: {  	s15 =	sadd.s32 $0x10, s15;
	s16 =	sadd.s32 $0x10, s16  }
0x32: {  	s19 =	sadd.s32 $0x10, s19;
	s17 =	sadd.s32 $0x10, s17;
	s18 =	sadd.s32 $0x10, s18;
	[tilespmem:v4+s13+$0x0] =	vst.idx.msk vm15, v2  }
0x33: {  	s14 =	sadd.s32 $0x1, s14  }
0x34: {  	p0 =	sne.s32 s14, s7  }
.Ltmp3:
0x35: {  	_ = 	snop;
	(pc) =	sbr.rel @p0 .LBB2_2-.Ltmp3, $4  }
0x36: {  	[hbm4b:s3+s8] =	stream.linear.scatter [tilespmem:s13], [sflag:$0x1], $0x1000, $0x38;
	[tilespmem:$0x3000] =	vst v63  }
0x37: {  	_ =	swait.ge [sflag:s9], $0x1000  }
0x38: {  	[sflag:s9] =	ssyncset.done $0x0  }
0x39: {  	[sflag:s9] =	ssyncadd.s32 $0xFFFFF000  }
.LBB2_7:
0x3a: {  	_ =	sfence.sel $0x180000  }
0x3b: {  	[bflag:$0x0] =	sbarrier.arrive $0xFFFF  }
0x3c: {  	p0 =	sne.s32 s0, $0x0;
	_ =	strace $0x90000047  }
0x3d: {  	s0 =	sadd.s32 @!p0 $0x100000, s1;
	[bflag:$0x2] =	sbarrier.arrive $0xFFFF  }
0x3e: {  	[sflag:s0] =	ssyncadd.tile.s32 @!p0 $0x1;
	_ =	shalt  }
.Lfunc_end2:
_tile_overlayer_lowered:
.L_overlay_start_2:
0x3f: {  	(tag) =	ssettag $0x2  }
0x40: {  	s0 =	rddreg [dreg:$0x0];
	s2 =	stileid.u32  }
0x41: {  	s1 =	rddreg [dreg:$0x1];
	p0 =	sne.s32 s2, $0x0  }
0x42: {  	s3 =	rddreg [dreg:$0x2];
	[bflag:$0x3] =	sbarrier.arrive $0xFFFF;
	s2 =	simm.s32 @!p0 $0x1C01  }
0x43: {  	[timem:s3], [sflag:s2] =	dma.local @!p0 [hbm:s0], s1  }
0x44: {  	s0 =	simm.s32 @!p0 $0x1  }
0x45: {  	_ =	swait.ge @!p0 [sflag:s0], s1  }
0x46: {  	s1 =	ssub.s32 @!p0 $0x0, s1;
	[sflag:s0] =	ssyncset.done @!p0 $0x0  }
0x47: {  	[sflag:s0] =	ssyncadd.s32 @!p0 s1  }
0x48: {  	[bflag:$0x3] =	sbarrier.arrive $0xFFFF  }
0x49: {  	_ =	shalt  }

</sc_bundles>
